<compile_context>
chip_gen: v7x
topology: tpu7x:2x2x1
jax: 0.10.2.dev20260603
libtpu: 0.0.44.dev20260713+nightly
codegen_flags: <defaults>
</compile_context>

<pallas_src>
import functools

import jax
import jax.numpy as jnp
from jax import lax
from jax.experimental import pallas as pl
from jax.experimental.pallas import tpu as pltpu
from jax.experimental.pallas import tpu_sc as plsc

NC, NS, LANES = 2, 16, 16
NW = NC * NS


def _chunk_size(per_worker):
    for k in range(128, 0, -8):
        if per_worker % k == 0:
            return k
    raise ValueError(per_worker)


def _divisor_leq(x, cap):
    for c in range(cap, 0, -1):
        if x % c == 0:
            return c
    return 1


def _pad_rows(n):
    q = 8 * NS
    return ((n + q - 1) // q) * q




@functools.lru_cache(maxsize=None)
def _make_seg_sum(n, dw, e):
    e_per_w = e // NW
    K = _chunk_size(e_per_w)
    n_chunks = e_per_w // K
    n_pad = _pad_rows(n)
    rpt = n_pad // NS
    crows = _divisor_leq(rpt, 64)
    n_copy = rpt // crows
    mesh = plsc.VectorSubcoreMesh(
        core_axis_name="c", subcore_axis_name="s", num_cores=NC, num_subcores=NS
    )
    scratch = [
        pltpu.VMEM((K,), jnp.int32),
        pltpu.VMEM((K,), jnp.int32),
        pltpu.VMEM((K, dw), jnp.float32),
        pltpu.VMEM((crows, dw), jnp.float32),
        pltpu.VMEM_SHARED((n_pad, dw), jnp.float32),
        pltpu.SemaphoreType.DMA,
    ]

    def body(h_hbm, src_hbm, dst_hbm, zrow_hbm, out_hbm,
             src_v, dst_v, rows_v, zbuf, acc_sh, sem):
        cid = lax.axis_index("c")
        sid = lax.axis_index("s")
        wid = sid * NC + cid
        row0 = sid * rpt

        pltpu.sync_copy(zrow_hbm, zbuf)

        @pl.loop(0, n_copy)
        def _(t):
            pltpu.sync_copy(zbuf, acc_sh.at[pl.ds(row0 + t * crows, crows)])

        plsc.subcore_barrier()

        ebase = wid * e_per_w

        @pl.loop(0, n_chunks)
        def _(i):
            off = ebase + i * K
            pltpu.sync_copy(src_hbm.at[pl.ds(off, K)], src_v)
            pltpu.sync_copy(dst_hbm.at[pl.ds(off, K)], dst_v)
            pltpu.async_copy(h_hbm.at[src_v], rows_v, sem).wait()
            pltpu.sync_copy(rows_v, acc_sh.at[dst_v], add=True)

        plsc.subcore_barrier()

        hb = cid * n_pad

        @pl.loop(0, n_copy)
        def _(t):
            o = row0 + t * crows
            pltpu.sync_copy(acc_sh.at[pl.ds(o, crows)], zbuf)
            pltpu.sync_copy(zbuf, out_hbm.at[pl.ds(hb + o, crows)])

    return pl.kernel(
        body,
        out_type=jax.ShapeDtypeStruct((NC * n_pad, dw), jnp.float32),
        mesh=mesh,
        scratch_types=scratch,
    )


def _seg_sum_zeros(n, dw):
    crows = _divisor_leq(_pad_rows(n) // NS, 64)
    return jnp.zeros((crows, dw), jnp.float32)


@functools.lru_cache(maxsize=None)
def _make_counts(n, d, e):
    e_per_w = e // NW
    K = _chunk_size(e_per_w)
    n_chunks = e_per_w // K
    n_pad = _pad_rows(n)
    rpt = n_pad // NS
    crows = _divisor_leq(rpt, 64)
    n_copy = rpt // crows
    mesh = plsc.VectorSubcoreMesh(
        core_axis_name="c", subcore_axis_name="s", num_cores=NC, num_subcores=NS
    )
    scratch = [
        pltpu.VMEM((K,), jnp.int32),
        pltpu.VMEM((K, d), jnp.float32),
        pltpu.VMEM((crows, d), jnp.float32),
        pltpu.VMEM_SHARED((n_pad, d), jnp.float32),
    ]

    def body(dst_hbm, ones_hbm, zrow_hbm, out_hbm,
             dst_v, ones_v, zbuf, acc_sh):
        cid = lax.axis_index("c")
        sid = lax.axis_index("s")
        wid = sid * NC + cid
        row0 = sid * rpt

        pltpu.sync_copy(zrow_hbm, zbuf)
        pltpu.sync_copy(ones_hbm, ones_v)

        @pl.loop(0, n_copy)
        def _(t):
            pltpu.sync_copy(zbuf, acc_sh.at[pl.ds(row0 + t * crows, crows)])

        plsc.subcore_barrier()

        ebase = wid * e_per_w

        @pl.loop(0, n_chunks)
        def _(i):
            off = ebase + i * K
            pltpu.sync_copy(dst_hbm.at[pl.ds(off, K)], dst_v)
            pltpu.sync_copy(ones_v, acc_sh.at[dst_v], add=True)

        plsc.subcore_barrier()

        hb = cid * n_pad

        @pl.loop(0, n_copy)
        def _(t):
            o = row0 + t * crows
            pltpu.sync_copy(acc_sh.at[pl.ds(o, crows)], zbuf)
            pltpu.sync_copy(zbuf, out_hbm.at[pl.ds(hb + o, crows)])

    return pl.kernel(
        body,
        out_type=jax.ShapeDtypeStruct((NC * n_pad, d), jnp.float32),
        mesh=mesh,
        scratch_types=scratch,
    )




@functools.lru_cache(maxsize=None)
def _make_decoder(n, h, el):
    el_per_w = el // NW
    K = _chunk_size(el_per_w)
    n_chunks = el_per_w // K
    JV = h // LANES
    mesh = plsc.VectorSubcoreMesh(
        core_axis_name="c", subcore_axis_name="s", num_cores=NC, num_subcores=NS
    )
    scratch = [
        pltpu.VMEM((K,), jnp.int32),
        pltpu.VMEM((K,), jnp.int32),
        pltpu.VMEM((K, h), jnp.float32),
        pltpu.VMEM((K, h), jnp.float32),
        pltpu.VMEM((K, LANES), jnp.float32),
        pltpu.VMEM((h,), jnp.float32),
        pltpu.VMEM((LANES,), jnp.float32),
        pltpu.SemaphoreType.DMA,
    ]

    def body(za_hbm, zb_hbm, row_hbm, col_hbm, w2_hbm, z16_hbm, out_hbm,
             ri_v, ci_v, a_v, b_v, out_v, w2_v, z16_v, sem):
        cid = lax.axis_index("c")
        sid = lax.axis_index("s")
        wid = sid * NC + cid
        ebase = wid * el_per_w
        pltpu.sync_copy(w2_hbm, w2_v)
        pltpu.sync_copy(z16_hbm, z16_v)
        w2s = [w2_v[pl.ds(j * LANES, LANES)] for j in range(JV)]
        zv = z16_v[:]

        @pl.loop(0, n_chunks)
        def _(i):
            off = ebase + i * K
            pltpu.sync_copy(row_hbm.at[pl.ds(off, K)], ri_v)
            pltpu.sync_copy(col_hbm.at[pl.ds(off, K)], ci_v)
            ca = pltpu.async_copy(za_hbm.at[ri_v], a_v, sem)
            cb = pltpu.async_copy(zb_hbm.at[ci_v], b_v, sem)
            ca.wait()
            cb.wait()

            @pl.loop(0, K)
            def _(e):
                acc = None
                for j in range(JV):
                    s = pl.ds(j * LANES, LANES)
                    t = jnp.maximum(a_v[e, s] + b_v[e, s], zv)
                    acc = t * w2s[j] if acc is None else acc + t * w2s[j]
                out_v[e, :] = acc

            pltpu.sync_copy(out_v, out_hbm.at[pl.ds(off, K)])

    return pl.kernel(
        body,
        out_type=jax.ShapeDtypeStruct((el, LANES), jnp.float32),
        mesh=mesh,
        scratch_types=scratch,
    )




def _tc_layer1(x, p0, p1, c0, c1, w1l, w1r, b1l):
    n, d = x.shape
    h = w1l.shape[1]
    rb = 1000
    grid = n // rb

    def body(x_ref, p0_ref, p1_ref, c0_ref, c1_ref, wl_ref, wr_ref, b_ref,
             o_ref):
        cnt_col = c0_ref[:, 0:1] + c1_ref[:, 0:1]
        inv = 1.0 / jnp.maximum(cnt_col, 1.0)
        mean = (p0_ref[...] + p1_ref[...]) * inv
        z = (
            jnp.dot(mean, wl_ref[...], preferred_element_type=jnp.float32)
            + jnp.dot(x_ref[...], wr_ref[...], preferred_element_type=jnp.float32)
            + b_ref[...]
        )
        o_ref[...] = jnp.maximum(z, 0.0)

    return pl.pallas_call(
        body,
        grid=(grid,),
        in_specs=[
            pl.BlockSpec((rb, d), lambda i: (i, 0)),
            pl.BlockSpec((rb, d), lambda i: (i, 0)),
            pl.BlockSpec((rb, d), lambda i: (i, 0)),
            pl.BlockSpec((rb, LANES), lambda i: (i, 0)),
            pl.BlockSpec((rb, LANES), lambda i: (i, 0)),
            pl.BlockSpec((d, h), lambda i: (0, 0)),
            pl.BlockSpec((d, h), lambda i: (0, 0)),
            pl.BlockSpec((1, h), lambda i: (0, 0)),
        ],
        out_specs=pl.BlockSpec((rb, h), lambda i: (i, 0)),
        out_shape=jax.ShapeDtypeStruct((n, h), jnp.float32),
    )(x, p0, p1, c0, c1, w1l, w1r, b1l)


def _tc_layer2_dec(z1, q0, q1, c0, c1, w2l, w2r, b2l, dw1a, dw1b, db1):
    n, h = z1.shape
    rb = 1000
    grid = n // rb

    def body(z1_ref, p0_ref, p1_ref, c0_ref, c1_ref, wl_ref, wr_ref, b_ref,
             da_ref, dbm_ref, db1_ref, oa_ref, ob_ref):
        cnt_col = c0_ref[:, 0:1] + c1_ref[:, 0:1]
        inv = 1.0 / jnp.maximum(cnt_col, 1.0)
        mean = (p0_ref[...] + p1_ref[...]) * inv
        z2 = (
            jnp.dot(mean, wl_ref[...], preferred_element_type=jnp.float32)
            + jnp.dot(z1_ref[...], wr_ref[...], preferred_element_type=jnp.float32)
            + b_ref[...]
        )
        oa_ref[...] = (
            jnp.dot(z2, da_ref[...], preferred_element_type=jnp.float32)
            + db1_ref[...]
        )
        ob_ref[...] = jnp.dot(z2, dbm_ref[...], preferred_element_type=jnp.float32)

    return pl.pallas_call(
        body,
        grid=(grid,),
        in_specs=[
            pl.BlockSpec((rb, h), lambda i: (i, 0)),
            pl.BlockSpec((rb, h), lambda i: (i, 0)),
            pl.BlockSpec((rb, h), lambda i: (i, 0)),
            pl.BlockSpec((rb, LANES), lambda i: (i, 0)),
            pl.BlockSpec((rb, LANES), lambda i: (i, 0)),
            pl.BlockSpec((h, h), lambda i: (0, 0)),
            pl.BlockSpec((h, h), lambda i: (0, 0)),
            pl.BlockSpec((1, h), lambda i: (0, 0)),
            pl.BlockSpec((h, h), lambda i: (0, 0)),
            pl.BlockSpec((h, h), lambda i: (0, 0)),
            pl.BlockSpec((1, h), lambda i: (0, 0)),
        ],
        out_specs=[
            pl.BlockSpec((rb, h), lambda i: (i, 0)),
            pl.BlockSpec((rb, h), lambda i: (i, 0)),
        ],
        out_shape=[
            jax.ShapeDtypeStruct((n, h), jnp.float32),
            jax.ShapeDtypeStruct((n, h), jnp.float32),
        ],
    )(z1, q0, q1, c0, c1, w2l, w2r, b2l, dw1a, dw1b, db1)


def _tc_lane_reduce(inter, db2):
    el = inter.shape[0]
    rb = 4000
    grid = el // rb

    def body(x_ref, b_ref, o_ref):
        o_ref[...] = jnp.sum(x_ref[...], axis=1, keepdims=True) + b_ref[...]

    return pl.pallas_call(
        body,
        grid=(grid,),
        in_specs=[
            pl.BlockSpec((rb, LANES), lambda i: (i, 0)),
            pl.BlockSpec((1, 1), lambda i: (0, 0)),
        ],
        out_specs=pl.BlockSpec((rb, 1), lambda i: (i, 0)),
        out_shape=jax.ShapeDtypeStruct((el, 1), jnp.float32),
    )(inter, db2)




def kernel(x, edge_index, edge_label_index, W1l, b1l, W1r, W2l, b2l, W2r,
           dW1, db1, dW2, db2):
    n, d = x.shape
    h = W1l.shape[1]
    e = edge_index.shape[1]
    el = edge_label_index.shape[1]
    n_pad = _pad_rows(n)
    src = edge_index[0].astype(jnp.int32)
    dst = edge_index[1].astype(jnp.int32)
    row = edge_label_index[0].astype(jnp.int32)
    col = edge_label_index[1].astype(jnp.int32)

    agg1 = _make_seg_sum(n, d, e)(x, src, dst, _seg_sum_zeros(n, d))
    p0, p1 = agg1[:n], agg1[n_pad:n_pad + n]
    K = _chunk_size(e // NW)
    cntf = _make_counts(n, d, e)(
        dst, jnp.ones((K, d), jnp.float32), _seg_sum_zeros(n, d))
    c0, c1 = cntf[:n, :LANES], cntf[n_pad:n_pad + n, :LANES]
    z1 = _tc_layer1(x, p0, p1, c0, c1, W1l, W1r, b1l.reshape(1, h))

    agg2 = _make_seg_sum(n, h, e)(z1, src, dst, _seg_sum_zeros(n, h))
    q0, q1 = agg2[:n], agg2[n_pad:n_pad + n]
    zA, zB = _tc_layer2_dec(
        z1, q0, q1, c0, c1, W2l, W2r, b2l.reshape(1, h),
        dW1[:h], dW1[h:], db1.reshape(1, h),
    )

    inter = _make_decoder(n, h, el)(
        zA, zB, row, col, dW2.reshape(h), jnp.zeros((LANES,), jnp.float32))
    out = _tc_lane_reduce(inter, db2.reshape(1, 1))
    return out.reshape(el)

# --- scband reference (transcript-rebuilt; emitter-appended) ---
"""Pipeline reference for scband-model-36301063586078 (READ-ONLY COPY).

The authoritative reference and input builder live on the scoring server;
editing this copy changes nothing except your own understanding.
"""

import jax, jax.numpy as jnp
import numpy as np

N, D, H, E, EL = 10000, 128, 128, 320000, 320000


def setup_inputs(seed: int = 0):
    key = jax.random.key(seed)
    ks = jax.random.split(key, 16)
    inp = {}
    inp["x"] = jax.random.normal(ks[0], (N, D), dtype=jnp.float32)
    inp["edge_index"] = jax.random.randint(ks[1], (2, E), 0, N, dtype=jnp.int32)
    inp["edge_label_index"] = jax.random.randint(ks[2], (2, EL), 0, N, dtype=jnp.int32)
    # SAGEConv 1 params: lin_l (aggregated neighbors, with bias), lin_r (root, no bias)
    inp["W1l"] = jax.random.normal(ks[3], (D, H), dtype=jnp.float32) * 0.05
    inp["b1l"] = jnp.zeros((H,), dtype=jnp.float32)
    inp["W1r"] = jax.random.normal(ks[4], (D, H), dtype=jnp.float32) * 0.05
    # SAGEConv 2 params
    inp["W2l"] = jax.random.normal(ks[5], (H, H), dtype=jnp.float32) * 0.05
    inp["b2l"] = jnp.zeros((H,), dtype=jnp.float32)
    inp["W2r"] = jax.random.normal(ks[6], (H, H), dtype=jnp.float32) * 0.05
    # EdgeDecoder params
    inp["dW1"] = jax.random.normal(ks[7], (2 * H, H), dtype=jnp.float32) * 0.05
    inp["db1"] = jnp.zeros((H,), dtype=jnp.float32)
    inp["dW2"] = jax.random.normal(ks[8], (H, 1), dtype=jnp.float32) * 0.05
    inp["db2"] = jnp.zeros((1,), dtype=jnp.float32)
    return inp


def _sage_conv(h, edge_index, Wl, bl, Wr):
    # PyG SAGEConv (aggr='mean'): out = lin_l(mean_{j->i} h_j) + lin_r(h_i)
    src = edge_index[0]
    dst = edge_index[1]
    n = h.shape[0]
    agg = jax.ops.segment_sum(h[src], dst, num_segments=n)
    cnt = jax.ops.segment_sum(jnp.ones((src.shape[0],), h.dtype), dst, num_segments=n)
    mean = agg / jnp.clip(cnt, 1.0, None)[:, None]
    return mean @ Wl + bl + h @ Wr


def reference(x, edge_index, edge_label_index, W1l, b1l, W1r, W2l, b2l, W2r, dW1, db1, dW2, db2):
    # GNNEncoder
    z = jax.nn.relu(_sage_conv(x, edge_index, W1l, b1l, W1r))
    z = _sage_conv(z, edge_index, W2l, b2l, W2r)
    # EdgeDecoder
    row = edge_label_index[0]
    col = edge_label_index[1]
    e = jnp.concatenate([z[row], z[col]], axis=-1)
    e = jax.nn.relu(e @ dW1 + db1)
    out = e @ dW2 + db2
    return out.reshape(-1)

if __name__ == "__main__":
    import jax
    _d = setup_inputs()
    print(jax.jit(kernel)(*tuple(_d.values())))

</pallas_src>

<mosaic_0001>
#map = affine_map<(d0, d1) -> (0)>
#map1 = affine_map<(d0, d1) -> (0, 0)>
module attributes {stable_mosaic.version = 14 : i64} {
  func.func @body(%arg0: i32, %arg1: i32, %arg2: memref<320000xi32, #tpu.memory_space<hbm>>, %arg3: memref<80x128xf32, #tpu.memory_space<hbm>>, %arg4: memref<8x128xf32, #tpu.memory_space<hbm>>, %arg5: memref<20224x128xf32, #tpu.memory_space<hbm>>, %arg6: memref<80xi32, #tpu.memory_space<vmem>>, %arg7: memref<80x128xf32, #tpu.memory_space<vmem>>, %arg8: memref<8x128xf32, #tpu.memory_space<vmem>>, %arg9: memref<10112x128xf32, #tpu.memory_space<vmem_shared>>) attributes {dimension_semantics = [#tpu.dimension_semantics<core_parallel>, #tpu.dimension_semantics<subcore_parallel>], iteration_bounds = array<i64: 2, 16>, scalar_prefetch = 0 : i64, scratch_operands = 4 : i64, tpu.core_type = #tpu.core_type<sc_vector_subcore>, window_params = [{transform_indices = #map}, {transform_indices = #map1}, {transform_indices = #map1}, {transform_indices = #map1}]} {
    %mul3A = arith.constant 2 : i32
    %mul3A_0 = arith.muli %arg1, %mul3A : i32
    %add3A = arith.addi %mul3A_0, %arg0 : i32
    %mul3A_1 = arith.constant 632 : i32
    %mul3A_2 = arith.muli %arg1, %mul3A_1 : i32
    "tpu.region"() ({
      %run_scoped3A = tpu.sem_alloc : memref<!tpu.dma_semaphore, #tpu.memory_space<semaphore_mem>>
      tpu.enqueue_dma source(%arg4 : memref<8x128xf32, #tpu.memory_space<hbm>>) target(%arg8 : memref<8x128xf32, #tpu.memory_space<vmem>>) target_semaphore(%run_scoped3A : memref<!tpu.dma_semaphore, #tpu.memory_space<semaphore_mem>>)
      tpu.wait_dma2 semaphore(%run_scoped3A : memref<!tpu.dma_semaphore, #tpu.memory_space<semaphore_mem>>) src(%arg4 : memref<8x128xf32, #tpu.memory_space<hbm>>) dst(%arg8 : memref<8x128xf32, #tpu.memory_space<vmem>>)
      tpu.yield
    }) : () -> ()
    "tpu.region"() ({
      %run_scoped3A = tpu.sem_alloc : memref<!tpu.dma_semaphore, #tpu.memory_space<semaphore_mem>>
      tpu.enqueue_dma source(%arg3 : memref<80x128xf32, #tpu.memory_space<hbm>>) target(%arg7 : memref<80x128xf32, #tpu.memory_space<vmem>>) target_semaphore(%run_scoped3A : memref<!tpu.dma_semaphore, #tpu.memory_space<semaphore_mem>>)
      tpu.wait_dma2 semaphore(%run_scoped3A : memref<!tpu.dma_semaphore, #tpu.memory_space<semaphore_mem>>) src(%arg3 : memref<80x128xf32, #tpu.memory_space<hbm>>) dst(%arg7 : memref<80x128xf32, #tpu.memory_space<vmem>>)
      tpu.yield
    }) : () -> ()
    %scan3A = arith.constant 0 : i32
    %scan3A_3 = arith.constant 79 : i32
    %scan3A_4 = arith.addi %scan3A, %scan3A_3 : i32
    %scan3A_5 = arith.constant 1 : i32
    scf.for %scan3A_22 = %scan3A to %scan3A_4 step %scan3A_5  : i32 {
      %mul3A_23 = arith.constant 1 : i32
      %mul3A_24 = arith.muli %scan3A_22, %mul3A_23 : i32
      %add3A_25 = arith.constant 0 : i32
      %add3A_26 = arith.addi %add3A_25, %mul3A_24 : i32
      %mul3A_27 = arith.constant 8 : i32
      %mul3A_28 = arith.muli %add3A_26, %mul3A_27 : i32
      %add3A_29 = arith.addi %mul3A_2, %mul3A_28 : i32
      "tpu.region"() ({
        %run_scoped3A = tpu.sem_alloc : memref<!tpu.dma_semaphore, #tpu.memory_space<semaphore_mem>>
        %dma_start3A = arith.constant 0 : i32
        %dma_start3A_30 = tpu.memref_slice %arg9[%add3A_29, %dma_start3A] : memref<10112x128xf32, #tpu.memory_space<vmem_shared>> -> memref<8x128xf32, #tpu.memory_space<vmem_shared>>
        %dma_start3A_31 = arith.constant 0 : i32
        %dma_start3A_32 = tpu.memref_slice %arg9[%add3A_29, %dma_start3A_31] : memref<10112x128xf32, #tpu.memory_space<vmem_shared>> -> memref<8x128xf32, #tpu.memory_space<vmem_shared>>
        tpu.enqueue_dma source(%arg8 : memref<8x128xf32, #tpu.memory_space<vmem>>) target(%dma_start3A_32 : memref<8x128xf32, #tpu.memory_space<vmem_shared>>) target_semaphore(%run_scoped3A : memref<!tpu.dma_semaphore, #tpu.memory_space<semaphore_mem>>)
        %dma_wait3A = arith.constant 0 : i32
        %dma_wait3A_33 = tpu.memref_slice %arg9[%add3A_29, %dma_wait3A] : memref<10112x128xf32, #tpu.memory_space<vmem_shared>> -> memref<8x128xf32, #tpu.memory_space<vmem_shared>>
        %dma_wait3A_34 = arith.constant 0 : i32
        %dma_wait3A_35 = tpu.memref_slice %arg9[%add3A_29, %dma_wait3A_34] : memref<10112x128xf32, #tpu.memory_space<vmem_shared>> -> memref<8x128xf32, #tpu.memory_space<vmem_shared>>
        tpu.wait_dma2 semaphore(%run_scoped3A : memref<!tpu.dma_semaphore, #tpu.memory_space<semaphore_mem>>) src(%arg8 : memref<8x128xf32, #tpu.memory_space<vmem>>) dst(%dma_wait3A_35 : memref<8x128xf32, #tpu.memory_space<vmem_shared>>)
        tpu.yield
      }) : () -> ()
    }
    %scan3A_6 = arith.constant 79 : i32
    %barrier3A = arith.constant 0 : index
    tpu.barrier barrier_id(%barrier3A)
    %mul3A_7 = arith.constant 10000 : i32
    %mul3A_8 = arith.muli %add3A, %mul3A_7 : i32
    %scan3A_9 = arith.constant 0 : i32
    %scan3A_10 = arith.constant 125 : i32
    %scan3A_11 = arith.addi %scan3A_9, %scan3A_10 : i32
    %scan3A_12 = arith.constant 1 : i32
    scf.for %scan3A_22 = %scan3A_9 to %scan3A_11 step %scan3A_12  : i32 {
      %mul3A_23 = arith.constant 1 : i32
      %mul3A_24 = arith.muli %scan3A_22, %mul3A_23 : i32
      %add3A_25 = arith.constant 0 : i32
      %add3A_26 = arith.addi %add3A_25, %mul3A_24 : i32
      %mul3A_27 = arith.constant 80 : i32
      %mul3A_28 = arith.muli %add3A_26, %mul3A_27 : i32
      %add3A_29 = arith.addi %mul3A_8, %mul3A_28 : i32
      "tpu.region"() ({
        %run_scoped3A = tpu.sem_alloc : memref<!tpu.dma_semaphore, #tpu.memory_space<semaphore_mem>>
        %dma_start3A = tpu.memref_slice %arg2[%add3A_29] : memref<320000xi32, #tpu.memory_space<hbm>> -> memref<80xi32, #tpu.memory_space<hbm>>
        %dma_start3A_30 = tpu.memref_slice %arg2[%add3A_29] : memref<320000xi32, #tpu.memory_space<hbm>> -> memref<80xi32, #tpu.memory_space<hbm>>
        tpu.enqueue_dma source(%dma_start3A_30 : memref<80xi32, #tpu.memory_space<hbm>>) target(%arg6 : memref<80xi32, #tpu.memory_space<vmem>>) target_semaphore(%run_scoped3A : memref<!tpu.dma_semaphore, #tpu.memory_space<semaphore_mem>>)
        %dma_wait3A = tpu.memref_slice %arg2[%add3A_29] : memref<320000xi32, #tpu.memory_space<hbm>> -> memref<80xi32, #tpu.memory_space<hbm>>
        %dma_wait3A_31 = tpu.memref_slice %arg2[%add3A_29] : memref<320000xi32, #tpu.memory_space<hbm>> -> memref<80xi32, #tpu.memory_space<hbm>>
        tpu.wait_dma2 semaphore(%run_scoped3A : memref<!tpu.dma_semaphore, #tpu.memory_space<semaphore_mem>>) src(%dma_wait3A_31 : memref<80xi32, #tpu.memory_space<hbm>>) dst(%arg6 : memref<80xi32, #tpu.memory_space<vmem>>)
        tpu.yield
      }) : () -> ()
      "tpu.region"() ({
        %run_scoped3A = tpu.sem_alloc : memref<!tpu.dma_semaphore, #tpu.memory_space<semaphore_mem>>
        %dma_start3A = arith.constant 0 : i32
        %dma_start3A_30 = arith.constant 0 : i32
        %dma_start3A_31 = tpu.memref_slice %arg9[%dma_start3A, %dma_start3A_30] : memref<10112x128xf32, #tpu.memory_space<vmem_shared>> -> memref<10112x128xf32, #tpu.memory_space<vmem_shared>>
        tpu.enqueue_indirect_dma source(%arg7 : memref<80x128xf32, #tpu.memory_space<vmem>>) target(%dma_start3A_31 : memref<10112x128xf32, #tpu.memory_space<vmem_shared>>) offsets(%arg6 : memref<80xi32, #tpu.memory_space<vmem>>) semaphore(%run_scoped3A : memref<!tpu.dma_semaphore, #tpu.memory_space<semaphore_mem>>) {add = true}
        %dma_wait3A = arith.constant 0 : i32
        %dma_wait3A_32 = arith.constant 0 : i32
        %dma_wait3A_33 = tpu.memref_slice %arg9[%dma_wait3A, %dma_wait3A_32] : memref<10112x128xf32, #tpu.memory_space<vmem_shared>> -> memref<10112x128xf32, #tpu.memory_space<vmem_shared>>
        tpu.wait_indirect_dma semaphore(%run_scoped3A : memref<!tpu.dma_semaphore, #tpu.memory_space<semaphore_mem>>) src(%arg7 : memref<80x128xf32, #tpu.memory_space<vmem>>) dst(%dma_wait3A_33 : memref<10112x128xf32, #tpu.memory_space<vmem_shared>>)
        tpu.yield
      }) : () -> ()
    }
    %scan3A_13 = arith.constant 125 : i32
    %barrier3A_14 = arith.constant 0 : index
    tpu.barrier barrier_id(%barrier3A_14)
    %mul3A_15 = arith.constant 10112 : i32
    %mul3A_16 = arith.muli %arg0, %mul3A_15 : i32
    %scan3A_17 = arith.constant 0 : i32
    %scan3A_18 = arith.constant 79 : i32
    %scan3A_19 = arith.addi %scan3A_17, %scan3A_18 : i32
    %scan3A_20 = arith.constant 1 : i32
    scf.for %scan3A_22 = %scan3A_17 to %scan3A_19 step %scan3A_20  : i32 {
      %mul3A_23 = arith.constant 1 : i32
      %mul3A_24 = arith.muli %scan3A_22, %mul3A_23 : i32
      %add3A_25 = arith.constant 0 : i32
      %add3A_26 = arith.addi %add3A_25, %mul3A_24 : i32
      %mul3A_27 = arith.constant 8 : i32
      %mul3A_28 = arith.muli %add3A_26, %mul3A_27 : i32
      %add3A_29 = arith.addi %mul3A_2, %mul3A_28 : i32
      "tpu.region"() ({
        %run_scoped3A = tpu.sem_alloc : memref<!tpu.dma_semaphore, #tpu.memory_space<semaphore_mem>>
        %dma_start3A = arith.constant 0 : i32
        %dma_start3A_31 = tpu.memref_slice %arg9[%add3A_29, %dma_start3A] : memref<10112x128xf32, #tpu.memory_space<vmem_shared>> -> memref<8x128xf32, #tpu.memory_space<vmem_shared>>
        %dma_start3A_32 = arith.constant 0 : i32
        %dma_start3A_33 = tpu.memref_slice %arg9[%add3A_29, %dma_start3A_32] : memref<10112x128xf32, #tpu.memory_space<vmem_shared>> -> memref<8x128xf32, #tpu.memory_space<vmem_shared>>
        tpu.enqueue_dma source(%dma_start3A_33 : memref<8x128xf32, #tpu.memory_space<vmem_shared>>) target(%arg8 : memref<8x128xf32, #tpu.memory_space<vmem>>) target_semaphore(%run_scoped3A : memref<!tpu.dma_semaphore, #tpu.memory_space<semaphore_mem>>)
        %dma_wait3A = arith.constant 0 : i32
        %dma_wait3A_34 = tpu.memref_slice %arg9[%add3A_29, %dma_wait3A] : memref<10112x128xf32, #tpu.memory_space<vmem_shared>> -> memref<8x128xf32, #tpu.memory_space<vmem_shared>>
        %dma_wait3A_35 = arith.constant 0 : i32
        %dma_wait3A_36 = tpu.memref_slice %arg9[%add3A_29, %dma_wait3A_35] : memref<10112x128xf32, #tpu.memory_space<vmem_shared>> -> memref<8x128xf32, #tpu.memory_space<vmem_shared>>
        tpu.wait_dma2 semaphore(%run_scoped3A : memref<!tpu.dma_semaphore, #tpu.memory_space<semaphore_mem>>) src(%dma_wait3A_36 : memref<8x128xf32, #tpu.memory_space<vmem_shared>>) dst(%arg8 : memref<8x128xf32, #tpu.memory_space<vmem>>)
        tpu.yield
      }) : () -> ()
      %add3A_30 = arith.addi %mul3A_16, %add3A_29 : i32
      "tpu.region"() ({
        %run_scoped3A = tpu.sem_alloc : memref<!tpu.dma_semaphore, #tpu.memory_space<semaphore_mem>>
        %dma_start3A = arith.constant 0 : i32
        %dma_start3A_31 = tpu.memref_slice %arg5[%add3A_30, %dma_start3A] : memref<20224x128xf32, #tpu.memory_space<hbm>> -> memref<8x128xf32, #tpu.memory_space<hbm>>
        %dma_start3A_32 = arith.constant 0 : i32
        %dma_start3A_33 = tpu.memref_slice %arg5[%add3A_30, %dma_start3A_32] : memref<20224x128xf32, #tpu.memory_space<hbm>> -> memref<8x128xf32, #tpu.memory_space<hbm>>
        tpu.enqueue_dma source(%arg8 : memref<8x128xf32, #tpu.memory_space<vmem>>) target(%dma_start3A_33 : memref<8x128xf32, #tpu.memory_space<hbm>>) target_semaphore(%run_scoped3A : memref<!tpu.dma_semaphore, #tpu.memory_space<semaphore_mem>>)
        %dma_wait3A = arith.constant 0 : i32
        %dma_wait3A_34 = tpu.memref_slice %arg5[%add3A_30, %dma_wait3A] : memref<20224x128xf32, #tpu.memory_space<hbm>> -> memref<8x128xf32, #tpu.memory_space<hbm>>
        %dma_wait3A_35 = arith.constant 0 : i32
        %dma_wait3A_36 = tpu.memref_slice %arg5[%add3A_30, %dma_wait3A_35] : memref<20224x128xf32, #tpu.memory_space<hbm>> -> memref<8x128xf32, #tpu.memory_space<hbm>>
        tpu.wait_dma2 semaphore(%run_scoped3A : memref<!tpu.dma_semaphore, #tpu.memory_space<semaphore_mem>>) src(%arg8 : memref<8x128xf32, #tpu.memory_space<vmem>>) dst(%dma_wait3A_36 : memref<8x128xf32, #tpu.memory_space<hbm>>)
        tpu.yield
      }) : () -> ()
    }
    %scan3A_21 = arith.constant 79 : i32
    return
  }
}

#map = affine_map<(d0, d1) -> (0, 0)>
#map1 = affine_map<(d0, d1) -> (0)>
module attributes {stable_mosaic.version = 14 : i64} {
  func.func @body(%arg0: i32, %arg1: i32, %arg2: memref<10000x128xf32, #tpu.memory_space<hbm>>, %arg3: memref<320000xi32, #tpu.memory_space<hbm>>, %arg4: memref<320000xi32, #tpu.memory_space<hbm>>, %arg5: memref<8x128xf32, #tpu.memory_space<hbm>>, %arg6: memref<20224x128xf32, #tpu.memory_space<hbm>>, %arg7: memref<80xi32, #tpu.memory_space<vmem>>, %arg8: memref<80xi32, #tpu.memory_space<vmem>>, %arg9: memref<80x128xf32, #tpu.memory_space<vmem>>, %arg10: memref<8x128xf32, #tpu.memory_space<vmem>>, %arg11: memref<10112x128xf32, #tpu.memory_space<vmem_shared>>, %arg12: memref<!tpu.dma_semaphore, #tpu.memory_space<semaphore_mem>>) attributes {dimension_semantics = [#tpu.dimension_semantics<core_parallel>, #tpu.dimension_semantics<subcore_parallel>], iteration_bounds = array<i64: 2, 16>, scalar_prefetch = 0 : i64, scratch_operands = 6 : i64, tpu.core_type = #tpu.core_type<sc_vector_subcore>, window_params = [{transform_indices = #map}, {transform_indices = #map1}, {transform_indices = #map1}, {transform_indices = #map}, {transform_indices = #map}]} {
    %mul3A = arith.constant 2 : i32
    %mul3A_0 = arith.muli %arg1, %mul3A : i32
    %add3A = arith.addi %mul3A_0, %arg0 : i32
    %mul3A_1 = arith.constant 632 : i32
    %mul3A_2 = arith.muli %arg1, %mul3A_1 : i32
    "tpu.region"() ({
      %run_scoped3A = tpu.sem_alloc : memref<!tpu.dma_semaphore, #tpu.memory_space<semaphore_mem>>
      tpu.enqueue_dma source(%arg5 : memref<8x128xf32, #tpu.memory_space<hbm>>) target(%arg10 : memref<8x128xf32, #tpu.memory_space<vmem>>) target_semaphore(%run_scoped3A : memref<!tpu.dma_semaphore, #tpu.memory_space<semaphore_mem>>)
      tpu.wait_dma2 semaphore(%run_scoped3A : memref<!tpu.dma_semaphore, #tpu.memory_space<semaphore_mem>>) src(%arg5 : memref<8x128xf32, #tpu.memory_space<hbm>>) dst(%arg10 : memref<8x128xf32, #tpu.memory_space<vmem>>)
      tpu.yield
    }) : () -> ()
    %scan3A = arith.constant 0 : i32
    %scan3A_3 = arith.constant 79 : i32
    %scan3A_4 = arith.addi %scan3A, %scan3A_3 : i32
    %scan3A_5 = arith.constant 1 : i32
    scf.for %scan3A_22 = %scan3A to %scan3A_4 step %scan3A_5  : i32 {
      %mul3A_23 = arith.constant 1 : i32
      %mul3A_24 = arith.muli %scan3A_22, %mul3A_23 : i32
      %add3A_25 = arith.constant 0 : i32
      %add3A_26 = arith.addi %add3A_25, %mul3A_24 : i32
      %mul3A_27 = arith.constant 8 : i32
      %mul3A_28 = arith.muli %add3A_26, %mul3A_27 : i32
      %add3A_29 = arith.addi %mul3A_2, %mul3A_28 : i32
      "tpu.region"() ({
        %run_scoped3A = tpu.sem_alloc : memref<!tpu.dma_semaphore, #tpu.memory_space<semaphore_mem>>
        %dma_start3A = arith.constant 0 : i32
        %dma_start3A_30 = tpu.memref_slice %arg11[%add3A_29, %dma_start3A] : memref<10112x128xf32, #tpu.memory_space<vmem_shared>> -> memref<8x128xf32, #tpu.memory_space<vmem_shared>>
        %dma_start3A_31 = arith.constant 0 : i32
        %dma_start3A_32 = tpu.memref_slice %arg11[%add3A_29, %dma_start3A_31] : memref<10112x128xf32, #tpu.memory_space<vmem_shared>> -> memref<8x128xf32, #tpu.memory_space<vmem_shared>>
        tpu.enqueue_dma source(%arg10 : memref<8x128xf32, #tpu.memory_space<vmem>>) target(%dma_start3A_32 : memref<8x128xf32, #tpu.memory_space<vmem_shared>>) target_semaphore(%run_scoped3A : memref<!tpu.dma_semaphore, #tpu.memory_space<semaphore_mem>>)
        %dma_wait3A = arith.constant 0 : i32
        %dma_wait3A_33 = tpu.memref_slice %arg11[%add3A_29, %dma_wait3A] : memref<10112x128xf32, #tpu.memory_space<vmem_shared>> -> memref<8x128xf32, #tpu.memory_space<vmem_shared>>
        %dma_wait3A_34 = arith.constant 0 : i32
        %dma_wait3A_35 = tpu.memref_slice %arg11[%add3A_29, %dma_wait3A_34] : memref<10112x128xf32, #tpu.memory_space<vmem_shared>> -> memref<8x128xf32, #tpu.memory_space<vmem_shared>>
        tpu.wait_dma2 semaphore(%run_scoped3A : memref<!tpu.dma_semaphore, #tpu.memory_space<semaphore_mem>>) src(%arg10 : memref<8x128xf32, #tpu.memory_space<vmem>>) dst(%dma_wait3A_35 : memref<8x128xf32, #tpu.memory_space<vmem_shared>>)
        tpu.yield
      }) : () -> ()
    }
    %scan3A_6 = arith.constant 79 : i32
    %barrier3A = arith.constant 0 : index
    tpu.barrier barrier_id(%barrier3A)
    %mul3A_7 = arith.constant 10000 : i32
    %mul3A_8 = arith.muli %add3A, %mul3A_7 : i32
    %scan3A_9 = arith.constant 0 : i32
    %scan3A_10 = arith.constant 125 : i32
    %scan3A_11 = arith.addi %scan3A_9, %scan3A_10 : i32
    %scan3A_12 = arith.constant 1 : i32
    scf.for %scan3A_22 = %scan3A_9 to %scan3A_11 step %scan3A_12  : i32 {
      %mul3A_23 = arith.constant 1 : i32
      %mul3A_24 = arith.muli %scan3A_22, %mul3A_23 : i32
      %add3A_25 = arith.constant 0 : i32
      %add3A_26 = arith.addi %add3A_25, %mul3A_24 : i32
      %mul3A_27 = arith.constant 80 : i32
      %mul3A_28 = arith.muli %add3A_26, %mul3A_27 : i32
      %add3A_29 = arith.addi %mul3A_8, %mul3A_28 : i32
      "tpu.region"() ({
        %run_scoped3A = tpu.sem_alloc : memref<!tpu.dma_semaphore, #tpu.memory_space<semaphore_mem>>
        %dma_start3A_34 = tpu.memref_slice %arg3[%add3A_29] : memref<320000xi32, #tpu.memory_space<hbm>> -> memref<80xi32, #tpu.memory_space<hbm>>
        %dma_start3A_35 = tpu.memref_slice %arg3[%add3A_29] : memref<320000xi32, #tpu.memory_space<hbm>> -> memref<80xi32, #tpu.memory_space<hbm>>
        tpu.enqueue_dma source(%dma_start3A_35 : memref<80xi32, #tpu.memory_space<hbm>>) target(%arg7 : memref<80xi32, #tpu.memory_space<vmem>>) target_semaphore(%run_scoped3A : memref<!tpu.dma_semaphore, #tpu.memory_space<semaphore_mem>>)
        %dma_wait3A_36 = tpu.memref_slice %arg3[%add3A_29] : memref<320000xi32, #tpu.memory_space<hbm>> -> memref<80xi32, #tpu.memory_space<hbm>>
        %dma_wait3A_37 = tpu.memref_slice %arg3[%add3A_29] : memref<320000xi32, #tpu.memory_space<hbm>> -> memref<80xi32, #tpu.memory_space<hbm>>
        tpu.wait_dma2 semaphore(%run_scoped3A : memref<!tpu.dma_semaphore, #tpu.memory_space<semaphore_mem>>) src(%dma_wait3A_37 : memref<80xi32, #tpu.memory_space<hbm>>) dst(%arg7 : memref<80xi32, #tpu.memory_space<vmem>>)
        tpu.yield
      }) : () -> ()
      "tpu.region"() ({
        %run_scoped3A = tpu.sem_alloc : memref<!tpu.dma_semaphore, #tpu.memory_space<semaphore_mem>>
        %dma_start3A_34 = tpu.memref_slice %arg4[%add3A_29] : memref<320000xi32, #tpu.memory_space<hbm>> -> memref<80xi32, #tpu.memory_space<hbm>>
        %dma_start3A_35 = tpu.memref_slice %arg4[%add3A_29] : memref<320000xi32, #tpu.memory_space<hbm>> -> memref<80xi32, #tpu.memory_space<hbm>>
        tpu.enqueue_dma source(%dma_start3A_35 : memref<80xi32, #tpu.memory_space<hbm>>) target(%arg8 : memref<80xi32, #tpu.memory_space<vmem>>) target_semaphore(%run_scoped3A : memref<!tpu.dma_semaphore, #tpu.memory_space<semaphore_mem>>)
        %dma_wait3A_36 = tpu.memref_slice %arg4[%add3A_29] : memref<320000xi32, #tpu.memory_space<hbm>> -> memref<80xi32, #tpu.memory_space<hbm>>
        %dma_wait3A_37 = tpu.memref_slice %arg4[%add3A_29] : memref<320000xi32, #tpu.memory_space<hbm>> -> memref<80xi32, #tpu.memory_space<hbm>>
        tpu.wait_dma2 semaphore(%run_scoped3A : memref<!tpu.dma_semaphore, #tpu.memory_space<semaphore_mem>>) src(%dma_wait3A_37 : memref<80xi32, #tpu.memory_space<hbm>>) dst(%arg8 : memref<80xi32, #tpu.memory_space<vmem>>)
        tpu.yield
      }) : () -> ()
      %dma_start3A = arith.constant 0 : i32
      %dma_start3A_30 = arith.constant 0 : i32
      %dma_start3A_31 = tpu.memref_slice %arg2[%dma_start3A, %dma_start3A_30] : memref<10000x128xf32, #tpu.memory_space<hbm>> -> memref<10000x128xf32, #tpu.memory_space<hbm>>
      tpu.enqueue_indirect_dma source(%dma_start3A_31 : memref<10000x128xf32, #tpu.memory_space<hbm>>) target(%arg9 : memref<80x128xf32, #tpu.memory_space<vmem>>) offsets(%arg7 : memref<80xi32, #tpu.memory_space<vmem>>) semaphore(%arg12 : memref<!tpu.dma_semaphore, #tpu.memory_space<semaphore_mem>>)
      %dma_wait3A = arith.constant 0 : i32
      %dma_wait3A_32 = arith.constant 0 : i32
      %dma_wait3A_33 = tpu.memref_slice %arg2[%dma_wait3A, %dma_wait3A_32] : memref<10000x128xf32, #tpu.memory_space<hbm>> -> memref<10000x128xf32, #tpu.memory_space<hbm>>
      tpu.wait_indirect_dma semaphore(%arg12 : memref<!tpu.dma_semaphore, #tpu.memory_space<semaphore_mem>>) src(%dma_wait3A_33 : memref<10000x128xf32, #tpu.memory_space<hbm>>) dst(%arg9 : memref<80x128xf32, #tpu.memory_space<vmem>>)
      "tpu.region"() ({
        %run_scoped3A = tpu.sem_alloc : memref<!tpu.dma_semaphore, #tpu.memory_space<semaphore_mem>>
        %dma_start3A_34 = arith.constant 0 : i32
        %dma_start3A_35 = arith.constant 0 : i32
        %dma_start3A_36 = tpu.memref_slice %arg11[%dma_start3A_34, %dma_start3A_35] : memref<10112x128xf32, #tpu.memory_space<vmem_shared>> -> memref<10112x128xf32, #tpu.memory_space<vmem_shared>>
        tpu.enqueue_indirect_dma source(%arg9 : memref<80x128xf32, #tpu.memory_space<vmem>>) target(%dma_start3A_36 : memref<10112x128xf32, #tpu.memory_space<vmem_shared>>) offsets(%arg8 : memref<80xi32, #tpu.memory_space<vmem>>) semaphore(%run_scoped3A : memref<!tpu.dma_semaphore, #tpu.memory_space<semaphore_mem>>) {add = true}
        %dma_wait3A_37 = arith.constant 0 : i32
        %dma_wait3A_38 = arith.constant 0 : i32
        %dma_wait3A_39 = tpu.memref_slice %arg11[%dma_wait3A_37, %dma_wait3A_38] : memref<10112x128xf32, #tpu.memory_space<vmem_shared>> -> memref<10112x128xf32, #tpu.memory_space<vmem_shared>>
        tpu.wait_indirect_dma semaphore(%run_scoped3A : memref<!tpu.dma_semaphore, #tpu.memory_space<semaphore_mem>>) src(%arg9 : memref<80x128xf32, #tpu.memory_space<vmem>>) dst(%dma_wait3A_39 : memref<10112x128xf32, #tpu.memory_space<vmem_shared>>)
        tpu.yield
      }) : () -> ()
    }
    %scan3A_13 = arith.constant 125 : i32
    %barrier3A_14 = arith.constant 0 : index
    tpu.barrier barrier_id(%barrier3A_14)
    %mul3A_15 = arith.constant 10112 : i32
    %mul3A_16 = arith.muli %arg0, %mul3A_15 : i32
    %scan3A_17 = arith.constant 0 : i32
    %scan3A_18 = arith.constant 79 : i32
    %scan3A_19 = arith.addi %scan3A_17, %scan3A_18 : i32
    %scan3A_20 = arith.constant 1 : i32
    scf.for %scan3A_22 = %scan3A_17 to %scan3A_19 step %scan3A_20  : i32 {
      %mul3A_23 = arith.constant 1 : i32
      %mul3A_24 = arith.muli %scan3A_22, %mul3A_23 : i32
      %add3A_25 = arith.constant 0 : i32
      %add3A_26 = arith.addi %add3A_25, %mul3A_24 : i32
      %mul3A_27 = arith.constant 8 : i32
      %mul3A_28 = arith.muli %add3A_26, %mul3A_27 : i32
      %add3A_29 = arith.addi %mul3A_2, %mul3A_28 : i32
      "tpu.region"() ({
        %run_scoped3A = tpu.sem_alloc : memref<!tpu.dma_semaphore, #tpu.memory_space<semaphore_mem>>
        %dma_start3A = arith.constant 0 : i32
        %dma_start3A_31 = tpu.memref_slice %arg11[%add3A_29, %dma_start3A] : memref<10112x128xf32, #tpu.memory_space<vmem_shared>> -> memref<8x128xf32, #tpu.memory_space<vmem_shared>>
        %dma_start3A_32 = arith.constant 0 : i32
        %dma_start3A_33 = tpu.memref_slice %arg11[%add3A_29, %dma_start3A_32] : memref<10112x128xf32, #tpu.memory_space<vmem_shared>> -> memref<8x128xf32, #tpu.memory_space<vmem_shared>>
        tpu.enqueue_dma source(%dma_start3A_33 : memref<8x128xf32, #tpu.memory_space<vmem_shared>>) target(%arg10 : memref<8x128xf32, #tpu.memory_space<vmem>>) target_semaphore(%run_scoped3A : memref<!tpu.dma_semaphore, #tpu.memory_space<semaphore_mem>>)
        %dma_wait3A = arith.constant 0 : i32
        %dma_wait3A_34 = tpu.memref_slice %arg11[%add3A_29, %dma_wait3A] : memref<10112x128xf32, #tpu.memory_space<vmem_shared>> -> memref<8x128xf32, #tpu.memory_space<vmem_shared>>
        %dma_wait3A_35 = arith.constant 0 : i32
        %dma_wait3A_36 = tpu.memref_slice %arg11[%add3A_29, %dma_wait3A_35] : memref<10112x128xf32, #tpu.memory_space<vmem_shared>> -> memref<8x128xf32, #tpu.memory_space<vmem_shared>>
        tpu.wait_dma2 semaphore(%run_scoped3A : memref<!tpu.dma_semaphore, #tpu.memory_space<semaphore_mem>>) src(%dma_wait3A_36 : memref<8x128xf32, #tpu.memory_space<vmem_shared>>) dst(%arg10 : memref<8x128xf32, #tpu.memory_space<vmem>>)
        tpu.yield
      }) : () -> ()
      %add3A_30 = arith.addi %mul3A_16, %add3A_29 : i32
      "tpu.region"() ({
        %run_scoped3A = tpu.sem_alloc : memref<!tpu.dma_semaphore, #tpu.memory_space<semaphore_mem>>
        %dma_start3A = arith.constant 0 : i32
        %dma_start3A_31 = tpu.memref_slice %arg6[%add3A_30, %dma_start3A] : memref<20224x128xf32, #tpu.memory_space<hbm>> -> memref<8x128xf32, #tpu.memory_space<hbm>>
        %dma_start3A_32 = arith.constant 0 : i32
        %dma_start3A_33 = tpu.memref_slice %arg6[%add3A_30, %dma_start3A_32] : memref<20224x128xf32, #tpu.memory_space<hbm>> -> memref<8x128xf32, #tpu.memory_space<hbm>>
        tpu.enqueue_dma source(%arg10 : memref<8x128xf32, #tpu.memory_space<vmem>>) target(%dma_start3A_33 : memref<8x128xf32, #tpu.memory_space<hbm>>) target_semaphore(%run_scoped3A : memref<!tpu.dma_semaphore, #tpu.memory_space<semaphore_mem>>)
        %dma_wait3A = arith.constant 0 : i32
        %dma_wait3A_34 = tpu.memref_slice %arg6[%add3A_30, %dma_wait3A] : memref<20224x128xf32, #tpu.memory_space<hbm>> -> memref<8x128xf32, #tpu.memory_space<hbm>>
        %dma_wait3A_35 = arith.constant 0 : i32
        %dma_wait3A_36 = tpu.memref_slice %arg6[%add3A_30, %dma_wait3A_35] : memref<20224x128xf32, #tpu.memory_space<hbm>> -> memref<8x128xf32, #tpu.memory_space<hbm>>
        tpu.wait_dma2 semaphore(%run_scoped3A : memref<!tpu.dma_semaphore, #tpu.memory_space<semaphore_mem>>) src(%arg10 : memref<8x128xf32, #tpu.memory_space<vmem>>) dst(%dma_wait3A_36 : memref<8x128xf32, #tpu.memory_space<hbm>>)
        tpu.yield
      }) : () -> ()
    }
    %scan3A_21 = arith.constant 79 : i32
    return
  }
}

#map = affine_map<(d0, d1) -> (0, 0)>
#map1 = affine_map<(d0, d1) -> (0)>
module attributes {stable_mosaic.version = 14 : i64} {
  func.func @body(%arg0: i32, %arg1: i32, %arg2: memref<10000x128xf32, #tpu.memory_space<hbm>>, %arg3: memref<320000xi32, #tpu.memory_space<hbm>>, %arg4: memref<320000xi32, #tpu.memory_space<hbm>>, %arg5: memref<8x128xf32, #tpu.memory_space<hbm>>, %arg6: memref<20224x128xf32, #tpu.memory_space<hbm>>, %arg7: memref<80xi32, #tpu.memory_space<vmem>>, %arg8: memref<80xi32, #tpu.memory_space<vmem>>, %arg9: memref<80x128xf32, #tpu.memory_space<vmem>>, %arg10: memref<8x128xf32, #tpu.memory_space<vmem>>, %arg11: memref<10112x128xf32, #tpu.memory_space<vmem_shared>>, %arg12: memref<!tpu.dma_semaphore, #tpu.memory_space<semaphore_mem>>) attributes {dimension_semantics = [#tpu.dimension_semantics<core_parallel>, #tpu.dimension_semantics<subcore_parallel>], iteration_bounds = array<i64: 2, 16>, scalar_prefetch = 0 : i64, scratch_operands = 6 : i64, tpu.core_type = #tpu.core_type<sc_vector_subcore>, window_params = [{transform_indices = #map}, {transform_indices = #map1}, {transform_indices = #map1}, {transform_indices = #map}, {transform_indices = #map}]} {
    %mul3A = arith.constant 2 : i32
    %mul3A_0 = arith.muli %arg1, %mul3A : i32
    %add3A = arith.addi %mul3A_0, %arg0 : i32
    %mul3A_1 = arith.constant 632 : i32
    %mul3A_2 = arith.muli %arg1, %mul3A_1 : i32
    "tpu.region"() ({
      %run_scoped3A = tpu.sem_alloc : memref<!tpu.dma_semaphore, #tpu.memory_space<semaphore_mem>>
      tpu.enqueue_dma source(%arg5 : memref<8x128xf32, #tpu.memory_space<hbm>>) target(%arg10 : memref<8x128xf32, #tpu.memory_space<vmem>>) target_semaphore(%run_scoped3A : memref<!tpu.dma_semaphore, #tpu.memory_space<semaphore_mem>>)
      tpu.wait_dma2 semaphore(%run_scoped3A : memref<!tpu.dma_semaphore, #tpu.memory_space<semaphore_mem>>) src(%arg5 : memref<8x128xf32, #tpu.memory_space<hbm>>) dst(%arg10 : memref<8x128xf32, #tpu.memory_space<vmem>>)
      tpu.yield
    }) : () -> ()
    %scan3A = arith.constant 0 : i32
    %scan3A_3 = arith.constant 79 : i32
    %scan3A_4 = arith.addi %scan3A, %scan3A_3 : i32
    %scan3A_5 = arith.constant 1 : i32
    scf.for %scan3A_22 = %scan3A to %scan3A_4 step %scan3A_5  : i32 {
      %mul3A_23 = arith.constant 1 : i32
      %mul3A_24 = arith.muli %scan3A_22, %mul3A_23 : i32
      %add3A_25 = arith.constant 0 : i32
      %add3A_26 = arith.addi %add3A_25, %mul3A_24 : i32
      %mul3A_27 = arith.constant 8 : i32
      %mul3A_28 = arith.muli %add3A_26, %mul3A_27 : i32
      %add3A_29 = arith.addi %mul3A_2, %mul3A_28 : i32
      "tpu.region"() ({
        %run_scoped3A = tpu.sem_alloc : memref<!tpu.dma_semaphore, #tpu.memory_space<semaphore_mem>>
        %dma_start3A = arith.constant 0 : i32
        %dma_start3A_30 = tpu.memref_slice %arg11[%add3A_29, %dma_start3A] : memref<10112x128xf32, #tpu.memory_space<vmem_shared>> -> memref<8x128xf32, #tpu.memory_space<vmem_shared>>
        %dma_start3A_31 = arith.constant 0 : i32
        %dma_start3A_32 = tpu.memref_slice %arg11[%add3A_29, %dma_start3A_31] : memref<10112x128xf32, #tpu.memory_space<vmem_shared>> -> memref<8x128xf32, #tpu.memory_space<vmem_shared>>
        tpu.enqueue_dma source(%arg10 : memref<8x128xf32, #tpu.memory_space<vmem>>) target(%dma_start3A_32 : memref<8x128xf32, #tpu.memory_space<vmem_shared>>) target_semaphore(%run_scoped3A : memref<!tpu.dma_semaphore, #tpu.memory_space<semaphore_mem>>)
        %dma_wait3A = arith.constant 0 : i32
        %dma_wait3A_33 = tpu.memref_slice %arg11[%add3A_29, %dma_wait3A] : memref<10112x128xf32, #tpu.memory_space<vmem_shared>> -> memref<8x128xf32, #tpu.memory_space<vmem_shared>>
        %dma_wait3A_34 = arith.constant 0 : i32
        %dma_wait3A_35 = tpu.memref_slice %arg11[%add3A_29, %dma_wait3A_34] : memref<10112x128xf32, #tpu.memory_space<vmem_shared>> -> memref<8x128xf32, #tpu.memory_space<vmem_shared>>
        tpu.wait_dma2 semaphore(%run_scoped3A : memref<!tpu.dma_semaphore, #tpu.memory_space<semaphore_mem>>) src(%arg10 : memref<8x128xf32, #tpu.memory_space<vmem>>) dst(%dma_wait3A_35 : memref<8x128xf32, #tpu.memory_space<vmem_shared>>)
        tpu.yield
      }) : () -> ()
    }
    %scan3A_6 = arith.constant 79 : i32
    %barrier3A = arith.constant 0 : index
    tpu.barrier barrier_id(%barrier3A)
    %mul3A_7 = arith.constant 10000 : i32
    %mul3A_8 = arith.muli %add3A, %mul3A_7 : i32
    %scan3A_9 = arith.constant 0 : i32
    %scan3A_10 = arith.constant 125 : i32
    %scan3A_11 = arith.addi %scan3A_9, %scan3A_10 : i32
    %scan3A_12 = arith.constant 1 : i32
    scf.for %scan3A_22 = %scan3A_9 to %scan3A_11 step %scan3A_12  : i32 {
      %mul3A_23 = arith.constant 1 : i32
      %mul3A_24 = arith.muli %scan3A_22, %mul3A_23 : i32
      %add3A_25 = arith.constant 0 : i32
      %add3A_26 = arith.addi %add3A_25, %mul3A_24 : i32
      %mul3A_27 = arith.constant 80 : i32
      %mul3A_28 = arith.muli %add3A_26, %mul3A_27 : i32
      %add3A_29 = arith.addi %mul3A_8, %mul3A_28 : i32
      "tpu.region"() ({
        %run_scoped3A = tpu.sem_alloc : memref<!tpu.dma_semaphore, #tpu.memory_space<semaphore_mem>>
        %dma_start3A_34 = tpu.memref_slice %arg3[%add3A_29] : memref<320000xi32, #tpu.memory_space<hbm>> -> memref<80xi32, #tpu.memory_space<hbm>>
        %dma_start3A_35 = tpu.memref_slice %arg3[%add3A_29] : memref<320000xi32, #tpu.memory_space<hbm>> -> memref<80xi32, #tpu.memory_space<hbm>>
        tpu.enqueue_dma source(%dma_start3A_35 : memref<80xi32, #tpu.memory_space<hbm>>) target(%arg7 : memref<80xi32, #tpu.memory_space<vmem>>) target_semaphore(%run_scoped3A : memref<!tpu.dma_semaphore, #tpu.memory_space<semaphore_mem>>)
        %dma_wait3A_36 = tpu.memref_slice %arg3[%add3A_29] : memref<320000xi32, #tpu.memory_space<hbm>> -> memref<80xi32, #tpu.memory_space<hbm>>
        %dma_wait3A_37 = tpu.memref_slice %arg3[%add3A_29] : memref<320000xi32, #tpu.memory_space<hbm>> -> memref<80xi32, #tpu.memory_space<hbm>>
        tpu.wait_dma2 semaphore(%run_scoped3A : memref<!tpu.dma_semaphore, #tpu.memory_space<semaphore_mem>>) src(%dma_wait3A_37 : memref<80xi32, #tpu.memory_space<hbm>>) dst(%arg7 : memref<80xi32, #tpu.memory_space<vmem>>)
        tpu.yield
      }) : () -> ()
      "tpu.region"() ({
        %run_scoped3A = tpu.sem_alloc : memref<!tpu.dma_semaphore, #tpu.memory_space<semaphore_mem>>
        %dma_start3A_34 = tpu.memref_slice %arg4[%add3A_29] : memref<320000xi32, #tpu.memory_space<hbm>> -> memref<80xi32, #tpu.memory_space<hbm>>
        %dma_start3A_35 = tpu.memref_slice %arg4[%add3A_29] : memref<320000xi32, #tpu.memory_space<hbm>> -> memref<80xi32, #tpu.memory_space<hbm>>
        tpu.enqueue_dma source(%dma_start3A_35 : memref<80xi32, #tpu.memory_space<hbm>>) target(%arg8 : memref<80xi32, #tpu.memory_space<vmem>>) target_semaphore(%run_scoped3A : memref<!tpu.dma_semaphore, #tpu.memory_space<semaphore_mem>>)
        %dma_wait3A_36 = tpu.memref_slice %arg4[%add3A_29] : memref<320000xi32, #tpu.memory_space<hbm>> -> memref<80xi32, #tpu.memory_space<hbm>>
        %dma_wait3A_37 = tpu.memref_slice %arg4[%add3A_29] : memref<320000xi32, #tpu.memory_space<hbm>> -> memref<80xi32, #tpu.memory_space<hbm>>
        tpu.wait_dma2 semaphore(%run_scoped3A : memref<!tpu.dma_semaphore, #tpu.memory_space<semaphore_mem>>) src(%dma_wait3A_37 : memref<80xi32, #tpu.memory_space<hbm>>) dst(%arg8 : memref<80xi32, #tpu.memory_space<vmem>>)
        tpu.yield
      }) : () -> ()
      %dma_start3A = arith.constant 0 : i32
      %dma_start3A_30 = arith.constant 0 : i32
      %dma_start3A_31 = tpu.memref_slice %arg2[%dma_start3A, %dma_start3A_30] : memref<10000x128xf32, #tpu.memory_space<hbm>> -> memref<10000x128xf32, #tpu.memory_space<hbm>>
      tpu.enqueue_indirect_dma source(%dma_start3A_31 : memref<10000x128xf32, #tpu.memory_space<hbm>>) target(%arg9 : memref<80x128xf32, #tpu.memory_space<vmem>>) offsets(%arg7 : memref<80xi32, #tpu.memory_space<vmem>>) semaphore(%arg12 : memref<!tpu.dma_semaphore, #tpu.memory_space<semaphore_mem>>)
      %dma_wait3A = arith.constant 0 : i32
      %dma_wait3A_32 = arith.constant 0 : i32
      %dma_wait3A_33 = tpu.memref_slice %arg2[%dma_wait3A, %dma_wait3A_32] : memref<10000x128xf32, #tpu.memory_space<hbm>> -> memref<10000x128xf32, #tpu.memory_space<hbm>>
      tpu.wait_indirect_dma semaphore(%arg12 : memref<!tpu.dma_semaphore, #tpu.memory_space<semaphore_mem>>) src(%dma_wait3A_33 : memref<10000x128xf32, #tpu.memory_space<hbm>>) dst(%arg9 : memref<80x128xf32, #tpu.memory_space<vmem>>)
      "tpu.region"() ({
        %run_scoped3A = tpu.sem_alloc : memref<!tpu.dma_semaphore, #tpu.memory_space<semaphore_mem>>
        %dma_start3A_34 = arith.constant 0 : i32
        %dma_start3A_35 = arith.constant 0 : i32
        %dma_start3A_36 = tpu.memref_slice %arg11[%dma_start3A_34, %dma_start3A_35] : memref<10112x128xf32, #tpu.memory_space<vmem_shared>> -> memref<10112x128xf32, #tpu.memory_space<vmem_shared>>
        tpu.enqueue_indirect_dma source(%arg9 : memref<80x128xf32, #tpu.memory_space<vmem>>) target(%dma_start3A_36 : memref<10112x128xf32, #tpu.memory_space<vmem_shared>>) offsets(%arg8 : memref<80xi32, #tpu.memory_space<vmem>>) semaphore(%run_scoped3A : memref<!tpu.dma_semaphore, #tpu.memory_space<semaphore_mem>>) {add = true}
        %dma_wait3A_37 = arith.constant 0 : i32
        %dma_wait3A_38 = arith.constant 0 : i32
        %dma_wait3A_39 = tpu.memref_slice %arg11[%dma_wait3A_37, %dma_wait3A_38] : memref<10112x128xf32, #tpu.memory_space<vmem_shared>> -> memref<10112x128xf32, #tpu.memory_space<vmem_shared>>
        tpu.wait_indirect_dma semaphore(%run_scoped3A : memref<!tpu.dma_semaphore, #tpu.memory_space<semaphore_mem>>) src(%arg9 : memref<80x128xf32, #tpu.memory_space<vmem>>) dst(%dma_wait3A_39 : memref<10112x128xf32, #tpu.memory_space<vmem_shared>>)
        tpu.yield
      }) : () -> ()
    }
    %scan3A_13 = arith.constant 125 : i32
    %barrier3A_14 = arith.constant 0 : index
    tpu.barrier barrier_id(%barrier3A_14)
    %mul3A_15 = arith.constant 10112 : i32
    %mul3A_16 = arith.muli %arg0, %mul3A_15 : i32
    %scan3A_17 = arith.constant 0 : i32
    %scan3A_18 = arith.constant 79 : i32
    %scan3A_19 = arith.addi %scan3A_17, %scan3A_18 : i32
    %scan3A_20 = arith.constant 1 : i32
    scf.for %scan3A_22 = %scan3A_17 to %scan3A_19 step %scan3A_20  : i32 {
      %mul3A_23 = arith.constant 1 : i32
      %mul3A_24 = arith.muli %scan3A_22, %mul3A_23 : i32
      %add3A_25 = arith.constant 0 : i32
      %add3A_26 = arith.addi %add3A_25, %mul3A_24 : i32
      %mul3A_27 = arith.constant 8 : i32
      %mul3A_28 = arith.muli %add3A_26, %mul3A_27 : i32
      %add3A_29 = arith.addi %mul3A_2, %mul3A_28 : i32
      "tpu.region"() ({
        %run_scoped3A = tpu.sem_alloc : memref<!tpu.dma_semaphore, #tpu.memory_space<semaphore_mem>>
        %dma_start3A = arith.constant 0 : i32
        %dma_start3A_31 = tpu.memref_slice %arg11[%add3A_29, %dma_start3A] : memref<10112x128xf32, #tpu.memory_space<vmem_shared>> -> memref<8x128xf32, #tpu.memory_space<vmem_shared>>
        %dma_start3A_32 = arith.constant 0 : i32
        %dma_start3A_33 = tpu.memref_slice %arg11[%add3A_29, %dma_start3A_32] : memref<10112x128xf32, #tpu.memory_space<vmem_shared>> -> memref<8x128xf32, #tpu.memory_space<vmem_shared>>
        tpu.enqueue_dma source(%dma_start3A_33 : memref<8x128xf32, #tpu.memory_space<vmem_shared>>) target(%arg10 : memref<8x128xf32, #tpu.memory_space<vmem>>) target_semaphore(%run_scoped3A : memref<!tpu.dma_semaphore, #tpu.memory_space<semaphore_mem>>)
        %dma_wait3A = arith.constant 0 : i32
        %dma_wait3A_34 = tpu.memref_slice %arg11[%add3A_29, %dma_wait3A] : memref<10112x128xf32, #tpu.memory_space<vmem_shared>> -> memref<8x128xf32, #tpu.memory_space<vmem_shared>>
        %dma_wait3A_35 = arith.constant 0 : i32
        %dma_wait3A_36 = tpu.memref_slice %arg11[%add3A_29, %dma_wait3A_35] : memref<10112x128xf32, #tpu.memory_space<vmem_shared>> -> memref<8x128xf32, #tpu.memory_space<vmem_shared>>
        tpu.wait_dma2 semaphore(%run_scoped3A : memref<!tpu.dma_semaphore, #tpu.memory_space<semaphore_mem>>) src(%dma_wait3A_36 : memref<8x128xf32, #tpu.memory_space<vmem_shared>>) dst(%arg10 : memref<8x128xf32, #tpu.memory_space<vmem>>)
        tpu.yield
      }) : () -> ()
      %add3A_30 = arith.addi %mul3A_16, %add3A_29 : i32
      "tpu.region"() ({
        %run_scoped3A = tpu.sem_alloc : memref<!tpu.dma_semaphore, #tpu.memory_space<semaphore_mem>>
        %dma_start3A = arith.constant 0 : i32
        %dma_start3A_31 = tpu.memref_slice %arg6[%add3A_30, %dma_start3A] : memref<20224x128xf32, #tpu.memory_space<hbm>> -> memref<8x128xf32, #tpu.memory_space<hbm>>
        %dma_start3A_32 = arith.constant 0 : i32
        %dma_start3A_33 = tpu.memref_slice %arg6[%add3A_30, %dma_start3A_32] : memref<20224x128xf32, #tpu.memory_space<hbm>> -> memref<8x128xf32, #tpu.memory_space<hbm>>
        tpu.enqueue_dma source(%arg10 : memref<8x128xf32, #tpu.memory_space<vmem>>) target(%dma_start3A_33 : memref<8x128xf32, #tpu.memory_space<hbm>>) target_semaphore(%run_scoped3A : memref<!tpu.dma_semaphore, #tpu.memory_space<semaphore_mem>>)
        %dma_wait3A = arith.constant 0 : i32
        %dma_wait3A_34 = tpu.memref_slice %arg6[%add3A_30, %dma_wait3A] : memref<20224x128xf32, #tpu.memory_space<hbm>> -> memref<8x128xf32, #tpu.memory_space<hbm>>
        %dma_wait3A_35 = arith.constant 0 : i32
        %dma_wait3A_36 = tpu.memref_slice %arg6[%add3A_30, %dma_wait3A_35] : memref<20224x128xf32, #tpu.memory_space<hbm>> -> memref<8x128xf32, #tpu.memory_space<hbm>>
        tpu.wait_dma2 semaphore(%run_scoped3A : memref<!tpu.dma_semaphore, #tpu.memory_space<semaphore_mem>>) src(%arg10 : memref<8x128xf32, #tpu.memory_space<vmem>>) dst(%dma_wait3A_36 : memref<8x128xf32, #tpu.memory_space<hbm>>)
        tpu.yield
      }) : () -> ()
    }
    %scan3A_21 = arith.constant 79 : i32
    return
  }
}

#map = affine_map<(d0, d1) -> (0, 0)>
#map1 = affine_map<(d0, d1) -> (0)>
module attributes {stable_mosaic.version = 14 : i64} {
  func.func @body(%arg0: i32, %arg1: i32, %arg2: memref<10000x128xf32, #tpu.memory_space<hbm>>, %arg3: memref<10000x128xf32, #tpu.memory_space<hbm>>, %arg4: memref<320000xi32, #tpu.memory_space<hbm>>, %arg5: memref<320000xi32, #tpu.memory_space<hbm>>, %arg6: memref<128xf32, #tpu.memory_space<hbm>>, %arg7: memref<16xf32, #tpu.memory_space<hbm>>, %arg8: memref<320000x16xf32, #tpu.memory_space<hbm>>, %arg9: memref<80xi32, #tpu.memory_space<vmem>>, %arg10: memref<80xi32, #tpu.memory_space<vmem>>, %arg11: memref<80x128xf32, #tpu.memory_space<vmem>>, %arg12: memref<80x128xf32, #tpu.memory_space<vmem>>, %arg13: memref<80x16xf32, #tpu.memory_space<vmem>>, %arg14: memref<128xf32, #tpu.memory_space<vmem>>, %arg15: memref<16xf32, #tpu.memory_space<vmem>>, %arg16: memref<!tpu.dma_semaphore, #tpu.memory_space<semaphore_mem>>) attributes {dimension_semantics = [#tpu.dimension_semantics<core_parallel>, #tpu.dimension_semantics<subcore_parallel>], iteration_bounds = array<i64: 2, 16>, scalar_prefetch = 0 : i64, scratch_operands = 8 : i64, tpu.core_type = #tpu.core_type<sc_vector_subcore>, window_params = [{transform_indices = #map}, {transform_indices = #map}, {transform_indices = #map1}, {transform_indices = #map1}, {transform_indices = #map1}, {transform_indices = #map1}, {transform_indices = #map}]} {
    %mul3A = arith.constant 2 : i32
    %mul3A_0 = arith.muli %arg1, %mul3A : i32
    %add3A = arith.addi %mul3A_0, %arg0 : i32
    %mul3A_1 = arith.constant 10000 : i32
    %mul3A_2 = arith.muli %add3A, %mul3A_1 : i32
    "tpu.region"() ({
      %run_scoped3A = tpu.sem_alloc : memref<!tpu.dma_semaphore, #tpu.memory_space<semaphore_mem>>
      tpu.enqueue_dma source(%arg6 : memref<128xf32, #tpu.memory_space<hbm>>) target(%arg14 : memref<128xf32, #tpu.memory_space<vmem>>) target_semaphore(%run_scoped3A : memref<!tpu.dma_semaphore, #tpu.memory_space<semaphore_mem>>)
      tpu.wait_dma2 semaphore(%run_scoped3A : memref<!tpu.dma_semaphore, #tpu.memory_space<semaphore_mem>>) src(%arg6 : memref<128xf32, #tpu.memory_space<hbm>>) dst(%arg14 : memref<128xf32, #tpu.memory_space<vmem>>)
      tpu.yield
    }) : () -> ()
    "tpu.region"() ({
      %run_scoped3A = tpu.sem_alloc : memref<!tpu.dma_semaphore, #tpu.memory_space<semaphore_mem>>
      tpu.enqueue_dma source(%arg7 : memref<16xf32, #tpu.memory_space<hbm>>) target(%arg15 : memref<16xf32, #tpu.memory_space<vmem>>) target_semaphore(%run_scoped3A : memref<!tpu.dma_semaphore, #tpu.memory_space<semaphore_mem>>)
      tpu.wait_dma2 semaphore(%run_scoped3A : memref<!tpu.dma_semaphore, #tpu.memory_space<semaphore_mem>>) src(%arg7 : memref<16xf32, #tpu.memory_space<hbm>>) dst(%arg15 : memref<16xf32, #tpu.memory_space<vmem>>)
      tpu.yield
    }) : () -> ()
    %get3A = arith.constant 0 : index
    %get3A_3 = tpu.vector_load %arg14[%get3A] {strides = array<i32>} : memref<128xf32, #tpu.memory_space<vmem>>, vector<16xf32>,
    %get3A_4 = vector.shape_cast %get3A_3 : vector<16xf32> to vector<16xf32>
    %get3A_5 = arith.constant 16 : index
    %get3A_6 = tpu.vector_load %arg14[%get3A_5] {strides = array<i32>} : memref<128xf32, #tpu.memory_space<vmem>>, vector<16xf32>,
    %get3A_7 = vector.shape_cast %get3A_6 : vector<16xf32> to vector<16xf32>
    %get3A_8 = arith.constant 32 : index
    %get3A_9 = tpu.vector_load %arg14[%get3A_8] {strides = array<i32>} : memref<128xf32, #tpu.memory_space<vmem>>, vector<16xf32>,
    %get3A_10 = vector.shape_cast %get3A_9 : vector<16xf32> to vector<16xf32>
    %get3A_11 = arith.constant 48 : index
    %get3A_12 = tpu.vector_load %arg14[%get3A_11] {strides = array<i32>} : memref<128xf32, #tpu.memory_space<vmem>>, vector<16xf32>,
    %get3A_13 = vector.shape_cast %get3A_12 : vector<16xf32> to vector<16xf32>
    %get3A_14 = arith.constant 64 : index
    %get3A_15 = tpu.vector_load %arg14[%get3A_14] {strides = array<i32>} : memref<128xf32, #tpu.memory_space<vmem>>, vector<16xf32>,
    %get3A_16 = vector.shape_cast %get3A_15 : vector<16xf32> to vector<16xf32>
    %get3A_17 = arith.constant 80 : index
    %get3A_18 = tpu.vector_load %arg14[%get3A_17] {strides = array<i32>} : memref<128xf32, #tpu.memory_space<vmem>>, vector<16xf32>,
    %get3A_19 = vector.shape_cast %get3A_18 : vector<16xf32> to vector<16xf32>
    %get3A_20 = arith.constant 96 : index
    %get3A_21 = tpu.vector_load %arg14[%get3A_20] {strides = array<i32>} : memref<128xf32, #tpu.memory_space<vmem>>, vector<16xf32>,
    %get3A_22 = vector.shape_cast %get3A_21 : vector<16xf32> to vector<16xf32>
    %get3A_23 = arith.constant 112 : index
    %get3A_24 = tpu.vector_load %arg14[%get3A_23] {strides = array<i32>} : memref<128xf32, #tpu.memory_space<vmem>>, vector<16xf32>,
    %get3A_25 = vector.shape_cast %get3A_24 : vector<16xf32> to vector<16xf32>
    %get3A_26 = arith.constant 0 : index
    %get3A_27 = tpu.vector_load %arg15[%get3A_26] {strides = array<i32>} : memref<16xf32, #tpu.memory_space<vmem>>, vector<16xf32>,
    %get3A_28 = vector.shape_cast %get3A_27 : vector<16xf32> to vector<16xf32>
    %scan3A = arith.constant 0 : i32
    %scan3A_29 = arith.constant 125 : i32
    %scan3A_30 = arith.addi %scan3A, %scan3A_29 : i32
    %scan3A_31 = arith.constant 1 : i32
    scf.for %scan3A_33 = %scan3A to %scan3A_30 step %scan3A_31  : i32 {
      %mul3A_34 = arith.constant 1 : i32
      %mul3A_35 = arith.muli %scan3A_33, %mul3A_34 : i32
      %add3A_36 = arith.constant 0 : i32
      %add3A_37 = arith.addi %add3A_36, %mul3A_35 : i32
      %mul3A_38 = arith.constant 80 : i32
      %mul3A_39 = arith.muli %add3A_37, %mul3A_38 : i32
      %add3A_40 = arith.addi %mul3A_2, %mul3A_39 : i32
      "tpu.region"() ({
        %run_scoped3A = tpu.sem_alloc : memref<!tpu.dma_semaphore, #tpu.memory_space<semaphore_mem>>
        %dma_start3A_56 = tpu.memref_slice %arg4[%add3A_40] : memref<320000xi32, #tpu.memory_space<hbm>> -> memref<80xi32, #tpu.memory_space<hbm>>
        %dma_start3A_57 = tpu.memref_slice %arg4[%add3A_40] : memref<320000xi32, #tpu.memory_space<hbm>> -> memref<80xi32, #tpu.memory_space<hbm>>
        tpu.enqueue_dma source(%dma_start3A_57 : memref<80xi32, #tpu.memory_space<hbm>>) target(%arg9 : memref<80xi32, #tpu.memory_space<vmem>>) target_semaphore(%run_scoped3A : memref<!tpu.dma_semaphore, #tpu.memory_space<semaphore_mem>>)
        %dma_wait3A_58 = tpu.memref_slice %arg4[%add3A_40] : memref<320000xi32, #tpu.memory_space<hbm>> -> memref<80xi32, #tpu.memory_space<hbm>>
        %dma_wait3A_59 = tpu.memref_slice %arg4[%add3A_40] : memref<320000xi32, #tpu.memory_space<hbm>> -> memref<80xi32, #tpu.memory_space<hbm>>
        tpu.wait_dma2 semaphore(%run_scoped3A : memref<!tpu.dma_semaphore, #tpu.memory_space<semaphore_mem>>) src(%dma_wait3A_59 : memref<80xi32, #tpu.memory_space<hbm>>) dst(%arg9 : memref<80xi32, #tpu.memory_space<vmem>>)
        tpu.yield
      }) : () -> ()
      "tpu.region"() ({
        %run_scoped3A = tpu.sem_alloc : memref<!tpu.dma_semaphore, #tpu.memory_space<semaphore_mem>>
        %dma_start3A_56 = tpu.memref_slice %arg5[%add3A_40] : memref<320000xi32, #tpu.memory_space<hbm>> -> memref<80xi32, #tpu.memory_space<hbm>>
        %dma_start3A_57 = tpu.memref_slice %arg5[%add3A_40] : memref<320000xi32, #tpu.memory_space<hbm>> -> memref<80xi32, #tpu.memory_space<hbm>>
        tpu.enqueue_dma source(%dma_start3A_57 : memref<80xi32, #tpu.memory_space<hbm>>) target(%arg10 : memref<80xi32, #tpu.memory_space<vmem>>) target_semaphore(%run_scoped3A : memref<!tpu.dma_semaphore, #tpu.memory_space<semaphore_mem>>)
        %dma_wait3A_58 = tpu.memref_slice %arg5[%add3A_40] : memref<320000xi32, #tpu.memory_space<hbm>> -> memref<80xi32, #tpu.memory_space<hbm>>
        %dma_wait3A_59 = tpu.memref_slice %arg5[%add3A_40] : memref<320000xi32, #tpu.memory_space<hbm>> -> memref<80xi32, #tpu.memory_space<hbm>>
        tpu.wait_dma2 semaphore(%run_scoped3A : memref<!tpu.dma_semaphore, #tpu.memory_space<semaphore_mem>>) src(%dma_wait3A_59 : memref<80xi32, #tpu.memory_space<hbm>>) dst(%arg10 : memref<80xi32, #tpu.memory_space<vmem>>)
        tpu.yield
      }) : () -> ()
      %dma_start3A = arith.constant 0 : i32
      %dma_start3A_41 = arith.constant 0 : i32
      %dma_start3A_42 = tpu.memref_slice %arg2[%dma_start3A, %dma_start3A_41] : memref<10000x128xf32, #tpu.memory_space<hbm>> -> memref<10000x128xf32, #tpu.memory_space<hbm>>
      tpu.enqueue_indirect_dma source(%dma_start3A_42 : memref<10000x128xf32, #tpu.memory_space<hbm>>) target(%arg11 : memref<80x128xf32, #tpu.memory_space<vmem>>) offsets(%arg9 : memref<80xi32, #tpu.memory_space<vmem>>) semaphore(%arg16 : memref<!tpu.dma_semaphore, #tpu.memory_space<semaphore_mem>>)
      %dma_start3A_43 = arith.constant 0 : i32
      %dma_start3A_44 = arith.constant 0 : i32
      %dma_start3A_45 = tpu.memref_slice %arg3[%dma_start3A_43, %dma_start3A_44] : memref<10000x128xf32, #tpu.memory_space<hbm>> -> memref<10000x128xf32, #tpu.memory_space<hbm>>
      tpu.enqueue_indirect_dma source(%dma_start3A_45 : memref<10000x128xf32, #tpu.memory_space<hbm>>) target(%arg12 : memref<80x128xf32, #tpu.memory_space<vmem>>) offsets(%arg10 : memref<80xi32, #tpu.memory_space<vmem>>) semaphore(%arg16 : memref<!tpu.dma_semaphore, #tpu.memory_space<semaphore_mem>>)
      %dma_wait3A = arith.constant 0 : i32
      %dma_wait3A_46 = arith.constant 0 : i32
      %dma_wait3A_47 = tpu.memref_slice %arg2[%dma_wait3A, %dma_wait3A_46] : memref<10000x128xf32, #tpu.memory_space<hbm>> -> memref<10000x128xf32, #tpu.memory_space<hbm>>
      tpu.wait_indirect_dma semaphore(%arg16 : memref<!tpu.dma_semaphore, #tpu.memory_space<semaphore_mem>>) src(%dma_wait3A_47 : memref<10000x128xf32, #tpu.memory_space<hbm>>) dst(%arg11 : memref<80x128xf32, #tpu.memory_space<vmem>>)
      %dma_wait3A_48 = arith.constant 0 : i32
      %dma_wait3A_49 = arith.constant 0 : i32
      %dma_wait3A_50 = tpu.memref_slice %arg3[%dma_wait3A_48, %dma_wait3A_49] : memref<10000x128xf32, #tpu.memory_space<hbm>> -> memref<10000x128xf32, #tpu.memory_space<hbm>>
      tpu.wait_indirect_dma semaphore(%arg16 : memref<!tpu.dma_semaphore, #tpu.memory_space<semaphore_mem>>) src(%dma_wait3A_50 : memref<10000x128xf32, #tpu.memory_space<hbm>>) dst(%arg12 : memref<80x128xf32, #tpu.memory_space<vmem>>)
      %scan3A_51 = arith.constant 0 : i32
      %scan3A_52 = arith.constant 80 : i32
      %scan3A_53 = arith.addi %scan3A_51, %scan3A_52 : i32
      %scan3A_54 = arith.constant 1 : i32
      scf.for %scan3A_56 = %scan3A_51 to %scan3A_53 step %scan3A_54  : i32 {
        %mul3A_57 = arith.constant 1 : i32
        %mul3A_58 = arith.muli %scan3A_56, %mul3A_57 : i32
        %add3A_59 = arith.constant 0 : i32
        %add3A_60 = arith.addi %add3A_59, %mul3A_58 : i32
        %get3A_61 = arith.index_cast %add3A_60 : i32 to index
        %get3A_62 = arith.constant 0 : index
        %get3A_63 = tpu.vector_load %arg11[%get3A_61, %get3A_62] {strides = array<i32>} : memref<80x128xf32, #tpu.memory_space<vmem>>, vector<1x16xf32>,
        %get3A_64 = vector.shape_cast %get3A_63 : vector<1x16xf32> to vector<16xf32>
        %get3A_65 = arith.index_cast %add3A_60 : i32 to index
        %get3A_66 = arith.constant 0 : index
        %get3A_67 = tpu.vector_load %arg12[%get3A_65, %get3A_66] {strides = array<i32>} : memref<80x128xf32, #tpu.memory_space<vmem>>, vector<1x16xf32>,
        %get3A_68 = vector.shape_cast %get3A_67 : vector<1x16xf32> to vector<16xf32>
        %add3A_69 = arith.addf %get3A_64, %get3A_68 : vector<16xf32>
        %max3A = arith.maximumf %add3A_69, %get3A_28 : vector<16xf32>
        %mul3A_70 = arith.mulf %max3A, %get3A_4 : vector<16xf32>
        %get3A_71 = arith.index_cast %add3A_60 : i32 to index
        %get3A_72 = arith.constant 16 : index
        %get3A_73 = tpu.vector_load %arg11[%get3A_71, %get3A_72] {strides = array<i32>} : memref<80x128xf32, #tpu.memory_space<vmem>>, vector<1x16xf32>,
        %get3A_74 = vector.shape_cast %get3A_73 : vector<1x16xf32> to vector<16xf32>
        %get3A_75 = arith.index_cast %add3A_60 : i32 to index
        %get3A_76 = arith.constant 16 : index
        %get3A_77 = tpu.vector_load %arg12[%get3A_75, %get3A_76] {strides = array<i32>} : memref<80x128xf32, #tpu.memory_space<vmem>>, vector<1x16xf32>,
        %get3A_78 = vector.shape_cast %get3A_77 : vector<1x16xf32> to vector<16xf32>
        %add3A_79 = arith.addf %get3A_74, %get3A_78 : vector<16xf32>
        %max3A_80 = arith.maximumf %add3A_79, %get3A_28 : vector<16xf32>
        %mul3A_81 = arith.mulf %max3A_80, %get3A_7 : vector<16xf32>
        %add3A_82 = arith.addf %mul3A_70, %mul3A_81 : vector<16xf32>
        %get3A_83 = arith.index_cast %add3A_60 : i32 to index
        %get3A_84 = arith.constant 32 : index
        %get3A_85 = tpu.vector_load %arg11[%get3A_83, %get3A_84] {strides = array<i32>} : memref<80x128xf32, #tpu.memory_space<vmem>>, vector<1x16xf32>,
        %get3A_86 = vector.shape_cast %get3A_85 : vector<1x16xf32> to vector<16xf32>
        %get3A_87 = arith.index_cast %add3A_60 : i32 to index
        %get3A_88 = arith.constant 32 : index
        %get3A_89 = tpu.vector_load %arg12[%get3A_87, %get3A_88] {strides = array<i32>} : memref<80x128xf32, #tpu.memory_space<vmem>>, vector<1x16xf32>,
        %get3A_90 = vector.shape_cast %get3A_89 : vector<1x16xf32> to vector<16xf32>
        %add3A_91 = arith.addf %get3A_86, %get3A_90 : vector<16xf32>
        %max3A_92 = arith.maximumf %add3A_91, %get3A_28 : vector<16xf32>
        %mul3A_93 = arith.mulf %max3A_92, %get3A_10 : vector<16xf32>
        %add3A_94 = arith.addf %add3A_82, %mul3A_93 : vector<16xf32>
        %get3A_95 = arith.index_cast %add3A_60 : i32 to index
        %get3A_96 = arith.constant 48 : index
        %get3A_97 = tpu.vector_load %arg11[%get3A_95, %get3A_96] {strides = array<i32>} : memref<80x128xf32, #tpu.memory_space<vmem>>, vector<1x16xf32>,
        %get3A_98 = vector.shape_cast %get3A_97 : vector<1x16xf32> to vector<16xf32>
        %get3A_99 = arith.index_cast %add3A_60 : i32 to index
        %get3A_100 = arith.constant 48 : index
        %get3A_101 = tpu.vector_load %arg12[%get3A_99, %get3A_100] {strides = array<i32>} : memref<80x128xf32, #tpu.memory_space<vmem>>, vector<1x16xf32>,
        %get3A_102 = vector.shape_cast %get3A_101 : vector<1x16xf32> to vector<16xf32>
        %add3A_103 = arith.addf %get3A_98, %get3A_102 : vector<16xf32>
        %max3A_104 = arith.maximumf %add3A_103, %get3A_28 : vector<16xf32>
        %mul3A_105 = arith.mulf %max3A_104, %get3A_13 : vector<16xf32>
        %add3A_106 = arith.addf %add3A_94, %mul3A_105 : vector<16xf32>
        %get3A_107 = arith.index_cast %add3A_60 : i32 to index
        %get3A_108 = arith.constant 64 : index
        %get3A_109 = tpu.vector_load %arg11[%get3A_107, %get3A_108] {strides = array<i32>} : memref<80x128xf32, #tpu.memory_space<vmem>>, vector<1x16xf32>,
        %get3A_110 = vector.shape_cast %get3A_109 : vector<1x16xf32> to vector<16xf32>
        %get3A_111 = arith.index_cast %add3A_60 : i32 to index
        %get3A_112 = arith.constant 64 : index
        %get3A_113 = tpu.vector_load %arg12[%get3A_111, %get3A_112] {strides = array<i32>} : memref<80x128xf32, #tpu.memory_space<vmem>>, vector<1x16xf32>,
        %get3A_114 = vector.shape_cast %get3A_113 : vector<1x16xf32> to vector<16xf32>
        %add3A_115 = arith.addf %get3A_110, %get3A_114 : vector<16xf32>
        %max3A_116 = arith.maximumf %add3A_115, %get3A_28 : vector<16xf32>
        %mul3A_117 = arith.mulf %max3A_116, %get3A_16 : vector<16xf32>
        %add3A_118 = arith.addf %add3A_106, %mul3A_117 : vector<16xf32>
        %get3A_119 = arith.index_cast %add3A_60 : i32 to index
        %get3A_120 = arith.constant 80 : index
        %get3A_121 = tpu.vector_load %arg11[%get3A_119, %get3A_120] {strides = array<i32>} : memref<80x128xf32, #tpu.memory_space<vmem>>, vector<1x16xf32>,
        %get3A_122 = vector.shape_cast %get3A_121 : vector<1x16xf32> to vector<16xf32>
        %get3A_123 = arith.index_cast %add3A_60 : i32 to index
        %get3A_124 = arith.constant 80 : index
        %get3A_125 = tpu.vector_load %arg12[%get3A_123, %get3A_124] {strides = array<i32>} : memref<80x128xf32, #tpu.memory_space<vmem>>, vector<1x16xf32>,
        %get3A_126 = vector.shape_cast %get3A_125 : vector<1x16xf32> to vector<16xf32>
        %add3A_127 = arith.addf %get3A_122, %get3A_126 : vector<16xf32>
        %max3A_128 = arith.maximumf %add3A_127, %get3A_28 : vector<16xf32>
        %mul3A_129 = arith.mulf %max3A_128, %get3A_19 : vector<16xf32>
        %add3A_130 = arith.addf %add3A_118, %mul3A_129 : vector<16xf32>
        %get3A_131 = arith.index_cast %add3A_60 : i32 to index
        %get3A_132 = arith.constant 96 : index
        %get3A_133 = tpu.vector_load %arg11[%get3A_131, %get3A_132] {strides = array<i32>} : memref<80x128xf32, #tpu.memory_space<vmem>>, vector<1x16xf32>,
        %get3A_134 = vector.shape_cast %get3A_133 : vector<1x16xf32> to vector<16xf32>
        %get3A_135 = arith.index_cast %add3A_60 : i32 to index
        %get3A_136 = arith.constant 96 : index
        %get3A_137 = tpu.vector_load %arg12[%get3A_135, %get3A_136] {strides = array<i32>} : memref<80x128xf32, #tpu.memory_space<vmem>>, vector<1x16xf32>,
        %get3A_138 = vector.shape_cast %get3A_137 : vector<1x16xf32> to vector<16xf32>
        %add3A_139 = arith.addf %get3A_134, %get3A_138 : vector<16xf32>
        %max3A_140 = arith.maximumf %add3A_139, %get3A_28 : vector<16xf32>
        %mul3A_141 = arith.mulf %max3A_140, %get3A_22 : vector<16xf32>
        %add3A_142 = arith.addf %add3A_130, %mul3A_141 : vector<16xf32>
        %get3A_143 = arith.index_cast %add3A_60 : i32 to index
        %get3A_144 = arith.constant 112 : index
        %get3A_145 = tpu.vector_load %arg11[%get3A_143, %get3A_144] {strides = array<i32>} : memref<80x128xf32, #tpu.memory_space<vmem>>, vector<1x16xf32>,
        %get3A_146 = vector.shape_cast %get3A_145 : vector<1x16xf32> to vector<16xf32>
        %get3A_147 = arith.index_cast %add3A_60 : i32 to index
        %get3A_148 = arith.constant 112 : index
        %get3A_149 = tpu.vector_load %arg12[%get3A_147, %get3A_148] {strides = array<i32>} : memref<80x128xf32, #tpu.memory_space<vmem>>, vector<1x16xf32>,
        %get3A_150 = vector.shape_cast %get3A_149 : vector<1x16xf32> to vector<16xf32>
        %add3A_151 = arith.addf %get3A_146, %get3A_150 : vector<16xf32>
        %max3A_152 = arith.maximumf %add3A_151, %get3A_28 : vector<16xf32>
        %mul3A_153 = arith.mulf %max3A_152, %get3A_25 : vector<16xf32>
        %add3A_154 = arith.addf %add3A_142, %mul3A_153 : vector<16xf32>
        %swap3A = arith.index_cast %add3A_60 : i32 to index
        %swap3A_155 = arith.constant 0 : index
        %swap3A_156 = tpu.vector_load %arg13[%swap3A, %swap3A_155] {strides = array<i32>} : memref<80x16xf32, #tpu.memory_space<vmem>>, vector<1x16xf32>,
        %swap3A_157 = vector.shape_cast %swap3A_156 : vector<1x16xf32> to vector<16xf32>
        %swap3A_158 = vector.shape_cast %add3A_154 : vector<16xf32> to vector<1x16xf32>
        tpu.vector_store %arg13[%swap3A, %swap3A_155], %swap3A_158 {strides = array<i32>} : memref<80x16xf32, #tpu.memory_space<vmem>>, vector<1x16xf32>,
      }
      %scan3A_55 = arith.constant 80 : i32
      "tpu.region"() ({
        %run_scoped3A = tpu.sem_alloc : memref<!tpu.dma_semaphore, #tpu.memory_space<semaphore_mem>>
        %dma_start3A_56 = arith.constant 0 : i32
        %dma_start3A_57 = tpu.memref_slice %arg8[%add3A_40, %dma_start3A_56] : memref<320000x16xf32, #tpu.memory_space<hbm>> -> memref<80x16xf32, #tpu.memory_space<hbm>>
        %dma_start3A_58 = arith.constant 0 : i32
        %dma_start3A_59 = tpu.memref_slice %arg8[%add3A_40, %dma_start3A_58] : memref<320000x16xf32, #tpu.memory_space<hbm>> -> memref<80x16xf32, #tpu.memory_space<hbm>>
        tpu.enqueue_dma source(%arg13 : memref<80x16xf32, #tpu.memory_space<vmem>>) target(%dma_start3A_59 : memref<80x16xf32, #tpu.memory_space<hbm>>) target_semaphore(%run_scoped3A : memref<!tpu.dma_semaphore, #tpu.memory_space<semaphore_mem>>)
        %dma_wait3A_60 = arith.constant 0 : i32
        %dma_wait3A_61 = tpu.memref_slice %arg8[%add3A_40, %dma_wait3A_60] : memref<320000x16xf32, #tpu.memory_space<hbm>> -> memref<80x16xf32, #tpu.memory_space<hbm>>
        %dma_wait3A_62 = arith.constant 0 : i32
        %dma_wait3A_63 = tpu.memref_slice %arg8[%add3A_40, %dma_wait3A_62] : memref<320000x16xf32, #tpu.memory_space<hbm>> -> memref<80x16xf32, #tpu.memory_space<hbm>>
        tpu.wait_dma2 semaphore(%run_scoped3A : memref<!tpu.dma_semaphore, #tpu.memory_space<semaphore_mem>>) src(%arg13 : memref<80x16xf32, #tpu.memory_space<vmem>>) dst(%dma_wait3A_63 : memref<80x16xf32, #tpu.memory_space<hbm>>)
        tpu.yield
      }) : () -> ()
    }
    %scan3A_32 = arith.constant 125 : i32
    return
  }
}

module attributes {stable_mosaic.version = 14 : i64} {
  func.func @body(%arg0: i32, %arg1: memref<1000x128xf32, #tpu.memory_space<vmem>>, %arg2: memref<1000x128xf32, #tpu.memory_space<vmem>>, %arg3: memref<1000x128xf32, #tpu.memory_space<vmem>>, %arg4: memref<1000x16xf32, #tpu.memory_space<vmem>>, %arg5: memref<1000x16xf32, #tpu.memory_space<vmem>>, %arg6: memref<128x128xf32, #tpu.memory_space<vmem>>, %arg7: memref<128x128xf32, #tpu.memory_space<vmem>>, %arg8: memref<1x128xf32, #tpu.memory_space<vmem>>, %arg9: memref<1000x128xf32, #tpu.memory_space<vmem>>) attributes {dimension_semantics = [#tpu.dimension_semantics<arbitrary>], iteration_bounds = array<i64: 10>, scalar_prefetch = 0 : i64, scratch_operands = 0 : i64, tpu.core_type = #tpu.core_type<tc>, window_params = [{transform_indices = @transform_0, window_bounds = array<i64: 1000, 128>}, {transform_indices = @transform_1, window_bounds = array<i64: 1000, 128>}, {transform_indices = @transform_2, window_bounds = array<i64: 1000, 128>}, {transform_indices = @transform_3, window_bounds = array<i64: 1000, 16>}, {transform_indices = @transform_4, window_bounds = array<i64: 1000, 16>}, {pipeline_mode = #tpu.pipeline_mode<synchronous>, transform_indices = @transform_5, window_bounds = array<i64: 128, 128>}, {pipeline_mode = #tpu.pipeline_mode<synchronous>, transform_indices = @transform_6, window_bounds = array<i64: 128, 128>}, {pipeline_mode = #tpu.pipeline_mode<synchronous>, transform_indices = @transform_7, window_bounds = array<i64: 1, 128>}, {transform_indices = @transform_8, window_bounds = array<i64: 1000, 128>}]} {
    %get3A = arith.constant 0 : index
    %get3A_0 = arith.constant 0 : index
    %get3A_1 = vector.load %arg4[%get3A, %get3A_0] : memref<1000x16xf32, #tpu.memory_space<vmem>>, vector<1000x1xf32>
    %get3A_2 = arith.constant 0 : index
    %get3A_3 = arith.constant 0 : index
    %get3A_4 = vector.load %arg5[%get3A_2, %get3A_3] : memref<1000x16xf32, #tpu.memory_space<vmem>>, vector<1000x1xf32>
    %add3A = arith.addf %get3A_1, %get3A_4 : vector<1000x1xf32>
    %max3A = arith.constant 1.000000e+00 : f32
    %max3A_5 = vector.broadcast %max3A : f32 to vector<1000x1xf32>
    %max3A_6 = arith.maximumf %add3A, %max3A_5 : vector<1000x1xf32>
    %div3A = arith.constant 1.000000e+00 : f32
    %div3A_7 = vector.broadcast %div3A : f32 to vector<1000x1xf32>
    %div3A_8 = arith.divf %div3A_7, %max3A_6 : vector<1000x1xf32>
    %get3A_9 = arith.constant 0 : index
    %get3A_10 = arith.constant 0 : index
    %get3A_11 = vector.load %arg2[%get3A_9, %get3A_10] : memref<1000x128xf32, #tpu.memory_space<vmem>>, vector<1000x128xf32>
    %get3A_12 = arith.constant 0 : index
    %get3A_13 = arith.constant 0 : index
    %get3A_14 = vector.load %arg3[%get3A_12, %get3A_13] : memref<1000x128xf32, #tpu.memory_space<vmem>>, vector<1000x128xf32>
    %add3A_15 = arith.addf %get3A_11, %get3A_14 : vector<1000x128xf32>
    %mul3A = vector.broadcast %div3A_8 : vector<1000x1xf32> to vector<1000x128xf32>
    %mul3A_16 = arith.mulf %add3A_15, %mul3A : vector<1000x128xf32>
    %get3A_17 = arith.constant 0 : index
    %get3A_18 = arith.constant 0 : index
    %get3A_19 = vector.load %arg6[%get3A_17, %get3A_18] : memref<128x128xf32, #tpu.memory_space<vmem>>, vector<128x128xf32>
    %dot_general3A = arith.constant dense<0.000000e+00> : vector<1000x128xf32>
    %dot_general3A_20 = tpu.matmul %mul3A_16, %get3A_19, %dot_general3A {dimension_numbers = #tpu.dot_dimension_numbers<[1], [0], [0], [1], [0, 0, 1, 1], [], []>, transpose_lhs_hint = false} : vector<1000x128xf32>, vector<128x128xf32>, vector<1000x128xf32> -> vector<1000x128xf32>
    %get3A_21 = arith.constant 0 : index
    %get3A_22 = arith.constant 0 : index
    %get3A_23 = vector.load %arg1[%get3A_21, %get3A_22] : memref<1000x128xf32, #tpu.memory_space<vmem>>, vector<1000x128xf32>
    %get3A_24 = arith.constant 0 : index
    %get3A_25 = arith.constant 0 : index
    %get3A_26 = vector.load %arg7[%get3A_24, %get3A_25] : memref<128x128xf32, #tpu.memory_space<vmem>>, vector<128x128xf32>
    %dot_general3A_27 = arith.constant dense<0.000000e+00> : vector<1000x128xf32>
    %dot_general3A_28 = tpu.matmul %get3A_23, %get3A_26, %dot_general3A_27 {dimension_numbers = #tpu.dot_dimension_numbers<[1], [0], [0], [1], [0, 0, 1, 1], [], []>, transpose_lhs_hint = false} : vector<1000x128xf32>, vector<128x128xf32>, vector<1000x128xf32> -> vector<1000x128xf32>
    %add3A_29 = arith.addf %dot_general3A_20, %dot_general3A_28 : vector<1000x128xf32>
    %get3A_30 = arith.constant 0 : index
    %get3A_31 = arith.constant 0 : index
    %get3A_32 = vector.load %arg8[%get3A_30, %get3A_31] : memref<1x128xf32, #tpu.memory_space<vmem>>, vector<1x128xf32>
    %add3A_33 = vector.broadcast %get3A_32 : vector<1x128xf32> to vector<1000x128xf32>
    %add3A_34 = arith.addf %add3A_29, %add3A_33 : vector<1000x128xf32>
    %max3A_35 = arith.constant 0.000000e+00 : f32
    %max3A_36 = vector.broadcast %max3A_35 : f32 to vector<1000x128xf32>
    %max3A_37 = arith.maximumf %add3A_34, %max3A_36 : vector<1000x128xf32>
    %swap3A = arith.constant 0 : index
    %swap3A_38 = arith.constant 0 : index
    %swap3A_39 = vector.load %arg9[%swap3A, %swap3A_38] : memref<1000x128xf32, #tpu.memory_space<vmem>>, vector<1000x128xf32>
    tpu.vector_store %arg9[%swap3A, %swap3A_38], %max3A_37 {strides = array<i32>} : memref<1000x128xf32, #tpu.memory_space<vmem>>, vector<1000x128xf32>,
    return
  }
  func.func @transform_0(%arg0: i32) -> (i32, i32) {
    %c0_i32 = arith.constant 0 : i32
    %c0_i32_0 = arith.constant 0 : i32
    return %arg0, %c0_i32 : i32, i32
  }
  func.func @transform_1(%arg0: i32) -> (i32, i32) {
    %c0_i32 = arith.constant 0 : i32
    %c0_i32_0 = arith.constant 0 : i32
    return %arg0, %c0_i32 : i32, i32
  }
  func.func @transform_2(%arg0: i32) -> (i32, i32) {
    %c0_i32 = arith.constant 0 : i32
    %c0_i32_0 = arith.constant 0 : i32
    return %arg0, %c0_i32 : i32, i32
  }
  func.func @transform_3(%arg0: i32) -> (i32, i32) {
    %c0_i32 = arith.constant 0 : i32
    %c0_i32_0 = arith.constant 0 : i32
    return %arg0, %c0_i32 : i32, i32
  }
  func.func @transform_4(%arg0: i32) -> (i32, i32) {
    %c0_i32 = arith.constant 0 : i32
    %c0_i32_0 = arith.constant 0 : i32
    return %arg0, %c0_i32 : i32, i32
  }
  func.func @transform_5(%arg0: i32) -> (i32, i32) {
    %c0_i32 = arith.constant 0 : i32
    %c0_i32_0 = arith.constant 0 : i32
    %c0_i32_1 = arith.constant 0 : i32
    return %c0_i32, %c0_i32_0 : i32, i32
  }
  func.func @transform_6(%arg0: i32) -> (i32, i32) {
    %c0_i32 = arith.constant 0 : i32
    %c0_i32_0 = arith.constant 0 : i32
    %c0_i32_1 = arith.constant 0 : i32
    return %c0_i32, %c0_i32_0 : i32, i32
  }
  func.func @transform_7(%arg0: i32) -> (i32, i32) {
    %c0_i32 = arith.constant 0 : i32
    %c0_i32_0 = arith.constant 0 : i32
    %c0_i32_1 = arith.constant 0 : i32
    return %c0_i32, %c0_i32_0 : i32, i32
  }
  func.func @transform_8(%arg0: i32) -> (i32, i32) {
    %c0_i32 = arith.constant 0 : i32
    %c0_i32_0 = arith.constant 0 : i32
    return %arg0, %c0_i32 : i32, i32
  }
}

module attributes {stable_mosaic.version = 14 : i64} {
  func.func @body(%arg0: i32, %arg1: memref<4000x16xf32, #tpu.memory_space<vmem>>, %arg2: memref<1x1xf32, #tpu.memory_space<vmem>>, %arg3: memref<4000x1xf32, #tpu.memory_space<vmem>>) attributes {dimension_semantics = [#tpu.dimension_semantics<arbitrary>], iteration_bounds = array<i64: 80>, scalar_prefetch = 0 : i64, scratch_operands = 0 : i64, tpu.core_type = #tpu.core_type<tc>, window_params = [{transform_indices = @transform_0, window_bounds = array<i64: 4000, 16>}, {pipeline_mode = #tpu.pipeline_mode<synchronous>, transform_indices = @transform_1, window_bounds = array<i64: 1, 1>}, {transform_indices = @transform_2, window_bounds = array<i64: 4000, 1>}]} {
    %get3A = arith.constant 0 : index
    %get3A_0 = arith.constant 0 : index
    %get3A_1 = vector.load %arg1[%get3A, %get3A_0] : memref<4000x16xf32, #tpu.memory_space<vmem>>, vector<4000x16xf32>
    %reduce_sum3A = arith.constant dense<0.000000e+00> : vector<4000xf32>
    %reduce_sum3A_2 = vector.multi_reduction <add>, %get3A_1, %reduce_sum3A [1] : vector<4000x16xf32> to vector<4000xf32>
    %broadcast_in_dim3A = vector.shape_cast %reduce_sum3A_2 : vector<4000xf32> to vector<4000x1xf32>
    %get3A_3 = arith.constant 0 : index
    %get3A_4 = arith.constant 0 : index
    %get3A_5 = vector.load %arg2[%get3A_3, %get3A_4] : memref<1x1xf32, #tpu.memory_space<vmem>>, vector<1x1xf32>
    %add3A = vector.broadcast %get3A_5 : vector<1x1xf32> to vector<4000x1xf32>
    %add3A_6 = arith.addf %broadcast_in_dim3A, %add3A : vector<4000x1xf32>
    %swap3A = arith.constant 0 : index
    %swap3A_7 = arith.constant 0 : index
    %swap3A_8 = vector.load %arg3[%swap3A, %swap3A_7] : memref<4000x1xf32, #tpu.memory_space<vmem>>, vector<4000x1xf32>
    tpu.vector_store %arg3[%swap3A, %swap3A_7], %add3A_6 {strides = array<i32>} : memref<4000x1xf32, #tpu.memory_space<vmem>>, vector<4000x1xf32>,
    return
  }
  func.func @transform_0(%arg0: i32) -> (i32, i32) {
    %c0_i32 = arith.constant 0 : i32
    %c0_i32_0 = arith.constant 0 : i32
    return %arg0, %c0_i32 : i32, i32
  }
  func.func @transform_1(%arg0: i32) -> (i32, i32) {
    %c0_i32 = arith.constant 0 : i32
    %c0_i32_0 = arith.constant 0 : i32
    %c0_i32_1 = arith.constant 0 : i32
    return %c0_i32, %c0_i32_0 : i32, i32
  }
  func.func @transform_2(%arg0: i32) -> (i32, i32) {
    %c0_i32 = arith.constant 0 : i32
    %c0_i32_0 = arith.constant 0 : i32
    return %arg0, %c0_i32 : i32, i32
  }
}

module attributes {stable_mosaic.version = 14 : i64} {
  func.func @body(%arg0: i32, %arg1: memref<1000x128xf32, #tpu.memory_space<vmem>>, %arg2: memref<1000x128xf32, #tpu.memory_space<vmem>>, %arg3: memref<1000x128xf32, #tpu.memory_space<vmem>>, %arg4: memref<1000x16xf32, #tpu.memory_space<vmem>>, %arg5: memref<1000x16xf32, #tpu.memory_space<vmem>>, %arg6: memref<128x128xf32, #tpu.memory_space<vmem>>, %arg7: memref<128x128xf32, #tpu.memory_space<vmem>>, %arg8: memref<1x128xf32, #tpu.memory_space<vmem>>, %arg9: memref<128x128xf32, #tpu.memory_space<vmem>>, %arg10: memref<128x128xf32, #tpu.memory_space<vmem>>, %arg11: memref<1x128xf32, #tpu.memory_space<vmem>>, %arg12: memref<1000x128xf32, #tpu.memory_space<vmem>>, %arg13: memref<1000x128xf32, #tpu.memory_space<vmem>>) attributes {dimension_semantics = [#tpu.dimension_semantics<arbitrary>], iteration_bounds = array<i64: 10>, scalar_prefetch = 0 : i64, scratch_operands = 0 : i64, tpu.core_type = #tpu.core_type<tc>, window_params = [{transform_indices = @transform_0, window_bounds = array<i64: 1000, 128>}, {transform_indices = @transform_1, window_bounds = array<i64: 1000, 128>}, {transform_indices = @transform_2, window_bounds = array<i64: 1000, 128>}, {transform_indices = @transform_3, window_bounds = array<i64: 1000, 16>}, {transform_indices = @transform_4, window_bounds = array<i64: 1000, 16>}, {pipeline_mode = #tpu.pipeline_mode<synchronous>, transform_indices = @transform_5, window_bounds = array<i64: 128, 128>}, {pipeline_mode = #tpu.pipeline_mode<synchronous>, transform_indices = @transform_6, window_bounds = array<i64: 128, 128>}, {pipeline_mode = #tpu.pipeline_mode<synchronous>, transform_indices = @transform_7, window_bounds = array<i64: 1, 128>}, {pipeline_mode = #tpu.pipeline_mode<synchronous>, transform_indices = @transform_8, window_bounds = array<i64: 128, 128>}, {pipeline_mode = #tpu.pipeline_mode<synchronous>, transform_indices = @transform_9, window_bounds = array<i64: 128, 128>}, {pipeline_mode = #tpu.pipeline_mode<synchronous>, transform_indices = @transform_10, window_bounds = array<i64: 1, 128>}, {transform_indices = @transform_11, window_bounds = array<i64: 1000, 128>}, {transform_indices = @transform_12, window_bounds = array<i64: 1000, 128>}]} {
    %get3A = arith.constant 0 : index
    %get3A_0 = arith.constant 0 : index
    %get3A_1 = vector.load %arg4[%get3A, %get3A_0] : memref<1000x16xf32, #tpu.memory_space<vmem>>, vector<1000x1xf32>
    %get3A_2 = arith.constant 0 : index
    %get3A_3 = arith.constant 0 : index
    %get3A_4 = vector.load %arg5[%get3A_2, %get3A_3] : memref<1000x16xf32, #tpu.memory_space<vmem>>, vector<1000x1xf32>
    %add3A = arith.addf %get3A_1, %get3A_4 : vector<1000x1xf32>
    %max3A = arith.constant 1.000000e+00 : f32
    %max3A_5 = vector.broadcast %max3A : f32 to vector<1000x1xf32>
    %max3A_6 = arith.maximumf %add3A, %max3A_5 : vector<1000x1xf32>
    %div3A = arith.constant 1.000000e+00 : f32
    %div3A_7 = vector.broadcast %div3A : f32 to vector<1000x1xf32>
    %div3A_8 = arith.divf %div3A_7, %max3A_6 : vector<1000x1xf32>
    %get3A_9 = arith.constant 0 : index
    %get3A_10 = arith.constant 0 : index
    %get3A_11 = vector.load %arg2[%get3A_9, %get3A_10] : memref<1000x128xf32, #tpu.memory_space<vmem>>, vector<1000x128xf32>
    %get3A_12 = arith.constant 0 : index
    %get3A_13 = arith.constant 0 : index
    %get3A_14 = vector.load %arg3[%get3A_12, %get3A_13] : memref<1000x128xf32, #tpu.memory_space<vmem>>, vector<1000x128xf32>
    %add3A_15 = arith.addf %get3A_11, %get3A_14 : vector<1000x128xf32>
    %mul3A = vector.broadcast %div3A_8 : vector<1000x1xf32> to vector<1000x128xf32>
    %mul3A_16 = arith.mulf %add3A_15, %mul3A : vector<1000x128xf32>
    %get3A_17 = arith.constant 0 : index
    %get3A_18 = arith.constant 0 : index
    %get3A_19 = vector.load %arg6[%get3A_17, %get3A_18] : memref<128x128xf32, #tpu.memory_space<vmem>>, vector<128x128xf32>
    %dot_general3A = arith.constant dense<0.000000e+00> : vector<1000x128xf32>
    %dot_general3A_20 = tpu.matmul %mul3A_16, %get3A_19, %dot_general3A {dimension_numbers = #tpu.dot_dimension_numbers<[1], [0], [0], [1], [0, 0, 1, 1], [], []>, transpose_lhs_hint = false} : vector<1000x128xf32>, vector<128x128xf32>, vector<1000x128xf32> -> vector<1000x128xf32>
    %get3A_21 = arith.constant 0 : index
    %get3A_22 = arith.constant 0 : index
    %get3A_23 = vector.load %arg1[%get3A_21, %get3A_22] : memref<1000x128xf32, #tpu.memory_space<vmem>>, vector<1000x128xf32>
    %get3A_24 = arith.constant 0 : index
    %get3A_25 = arith.constant 0 : index
    %get3A_26 = vector.load %arg7[%get3A_24, %get3A_25] : memref<128x128xf32, #tpu.memory_space<vmem>>, vector<128x128xf32>
    %dot_general3A_27 = arith.constant dense<0.000000e+00> : vector<1000x128xf32>
    %dot_general3A_28 = tpu.matmul %get3A_23, %get3A_26, %dot_general3A_27 {dimension_numbers = #tpu.dot_dimension_numbers<[1], [0], [0], [1], [0, 0, 1, 1], [], []>, transpose_lhs_hint = false} : vector<1000x128xf32>, vector<128x128xf32>, vector<1000x128xf32> -> vector<1000x128xf32>
    %add3A_29 = arith.addf %dot_general3A_20, %dot_general3A_28 : vector<1000x128xf32>
    %get3A_30 = arith.constant 0 : index
    %get3A_31 = arith.constant 0 : index
    %get3A_32 = vector.load %arg8[%get3A_30, %get3A_31] : memref<1x128xf32, #tpu.memory_space<vmem>>, vector<1x128xf32>
    %add3A_33 = vector.broadcast %get3A_32 : vector<1x128xf32> to vector<1000x128xf32>
    %add3A_34 = arith.addf %add3A_29, %add3A_33 : vector<1000x128xf32>
    %get3A_35 = arith.constant 0 : index
    %get3A_36 = arith.constant 0 : index
    %get3A_37 = vector.load %arg9[%get3A_35, %get3A_36] : memref<128x128xf32, #tpu.memory_space<vmem>>, vector<128x128xf32>
    %dot_general3A_38 = arith.constant dense<0.000000e+00> : vector<1000x128xf32>
    %dot_general3A_39 = tpu.matmul %add3A_34, %get3A_37, %dot_general3A_38 {dimension_numbers = #tpu.dot_dimension_numbers<[1], [0], [0], [1], [0, 0, 1, 1], [], []>, transpose_lhs_hint = false} : vector<1000x128xf32>, vector<128x128xf32>, vector<1000x128xf32> -> vector<1000x128xf32>
    %get3A_40 = arith.constant 0 : index
    %get3A_41 = arith.constant 0 : index
    %get3A_42 = vector.load %arg11[%get3A_40, %get3A_41] : memref<1x128xf32, #tpu.memory_space<vmem>>, vector<1x128xf32>
    %add3A_43 = vector.broadcast %get3A_42 : vector<1x128xf32> to vector<1000x128xf32>
    %add3A_44 = arith.addf %dot_general3A_39, %add3A_43 : vector<1000x128xf32>
    %swap3A = arith.constant 0 : index
    %swap3A_45 = arith.constant 0 : index
    %swap3A_46 = vector.load %arg12[%swap3A, %swap3A_45] : memref<1000x128xf32, #tpu.memory_space<vmem>>, vector<1000x128xf32>
    tpu.vector_store %arg12[%swap3A, %swap3A_45], %add3A_44 {strides = array<i32>} : memref<1000x128xf32, #tpu.memory_space<vmem>>, vector<1000x128xf32>,
    %get3A_47 = arith.constant 0 : index
    %get3A_48 = arith.constant 0 : index
    %get3A_49 = vector.load %arg10[%get3A_47, %get3A_48] : memref<128x128xf32, #tpu.memory_space<vmem>>, vector<128x128xf32>
    %dot_general3A_50 = arith.constant dense<0.000000e+00> : vector<1000x128xf32>
    %dot_general3A_51 = tpu.matmul %add3A_34, %get3A_49, %dot_general3A_50 {dimension_numbers = #tpu.dot_dimension_numbers<[1], [0], [0], [1], [0, 0, 1, 1], [], []>, transpose_lhs_hint = false} : vector<1000x128xf32>, vector<128x128xf32>, vector<1000x128xf32> -> vector<1000x128xf32>
    %swap3A_52 = arith.constant 0 : index
    %swap3A_53 = arith.constant 0 : index
    %swap3A_54 = vector.load %arg13[%swap3A_52, %swap3A_53] : memref<1000x128xf32, #tpu.memory_space<vmem>>, vector<1000x128xf32>
    tpu.vector_store %arg13[%swap3A_52, %swap3A_53], %dot_general3A_51 {strides = array<i32>} : memref<1000x128xf32, #tpu.memory_space<vmem>>, vector<1000x128xf32>,
    return
  }
  func.func @transform_0(%arg0: i32) -> (i32, i32) {
    %c0_i32 = arith.constant 0 : i32
    %c0_i32_0 = arith.constant 0 : i32
    return %arg0, %c0_i32 : i32, i32
  }
  func.func @transform_1(%arg0: i32) -> (i32, i32) {
    %c0_i32 = arith.constant 0 : i32
    %c0_i32_0 = arith.constant 0 : i32
    return %arg0, %c0_i32 : i32, i32
  }
  func.func @transform_2(%arg0: i32) -> (i32, i32) {
    %c0_i32 = arith.constant 0 : i32
    %c0_i32_0 = arith.constant 0 : i32
    return %arg0, %c0_i32 : i32, i32
  }
  func.func @transform_3(%arg0: i32) -> (i32, i32) {
    %c0_i32 = arith.constant 0 : i32
    %c0_i32_0 = arith.constant 0 : i32
    return %arg0, %c0_i32 : i32, i32
  }
  func.func @transform_4(%arg0: i32) -> (i32, i32) {
    %c0_i32 = arith.constant 0 : i32
    %c0_i32_0 = arith.constant 0 : i32
    return %arg0, %c0_i32 : i32, i32
  }
  func.func @transform_5(%arg0: i32) -> (i32, i32) {
    %c0_i32 = arith.constant 0 : i32
    %c0_i32_0 = arith.constant 0 : i32
    %c0_i32_1 = arith.constant 0 : i32
    return %c0_i32, %c0_i32_0 : i32, i32
  }
  func.func @transform_6(%arg0: i32) -> (i32, i32) {
    %c0_i32 = arith.constant 0 : i32
    %c0_i32_0 = arith.constant 0 : i32
    %c0_i32_1 = arith.constant 0 : i32
    return %c0_i32, %c0_i32_0 : i32, i32
  }
  func.func @transform_7(%arg0: i32) -> (i32, i32) {
    %c0_i32 = arith.constant 0 : i32
    %c0_i32_0 = arith.constant 0 : i32
    %c0_i32_1 = arith.constant 0 : i32
    return %c0_i32, %c0_i32_0 : i32, i32
  }
  func.func @transform_8(%arg0: i32) -> (i32, i32) {
    %c0_i32 = arith.constant 0 : i32
    %c0_i32_0 = arith.constant 0 : i32
    %c0_i32_1 = arith.constant 0 : i32
    return %c0_i32, %c0_i32_0 : i32, i32
  }
  func.func @transform_9(%arg0: i32) -> (i32, i32) {
    %c0_i32 = arith.constant 0 : i32
    %c0_i32_0 = arith.constant 0 : i32
    %c0_i32_1 = arith.constant 0 : i32
    return %c0_i32, %c0_i32_0 : i32, i32
  }
  func.func @transform_10(%arg0: i32) -> (i32, i32) {
    %c0_i32 = arith.constant 0 : i32
    %c0_i32_0 = arith.constant 0 : i32
    %c0_i32_1 = arith.constant 0 : i32
    return %c0_i32, %c0_i32_0 : i32, i32
  }
  func.func @transform_11(%arg0: i32) -> (i32, i32) {
    %c0_i32 = arith.constant 0 : i32
    %c0_i32_0 = arith.constant 0 : i32
    return %arg0, %c0_i32 : i32, i32
  }
  func.func @transform_12(%arg0: i32) -> (i32, i32) {
    %c0_i32 = arith.constant 0 : i32
    %c0_i32_0 = arith.constant 0 : i32
    return %arg0, %c0_i32 : i32, i32
  }
}

</mosaic_0001>

<sc_bundles>
// kernel: kernel.12.cloned.1.call-start
scs
__scs_entry_jumppad:
0x0: {  	(pc) =	sbr.rel $0x88, $3  }
0x1: {  	(tag) =	ssettag $0x0;
	lr =	simm.s32 $0x1  }
0x2: {  	[smem:$0x3F94] =	sst lr;
	_ =	strace $0xD0000000  }
0x3: {  	_ = 	snop  }
0x4: {  	_ = 	snop  }
0x5: {  	_ = 	snop  }
0x6: {  	_ = 	snop  }
0x7: {  	_ = 	snop  }
__scs_overlays_trampoline_lowered:
0x8: {  	[smem:$0x3FA3] =	sst s0  }
0x9: {  	[smem:$0x3FA4] =	sst s1  }
0xa: {  	[smem:$0x3FA5] =	sst s2  }
0xb: {  	[smem:$0x3FA6] =	sst s3  }
0xc: {  	[smem:$0x3FA7] =	sst s4  }
0xd: {  	[smem:$0x3FA8] =	sst s5  }
0xe: {  	[smem:$0x3FA9] =	sst s6  }
0xf: {  	[smem:$0x3FAA] =	sst s7  }
0x10: {  	[smem:$0x3FAB] =	sst s8  }
0x11: {  	[smem:$0x3FAC] =	sst s9;
	s0 =	simm.s32 @!p0 $0x0  }
0x12: {  	s1 =	sld [smem:$0x3F92];
	s0 =	simm.s32 @p0 $0x1  }
0x13: {  	[smem:$0x3FAD] =	sst s0;
	s0 =	simm.s32 @!p1 $0x0  }
0x14: {  	s2 =	sld [smem:$0x3F91];
	s0 =	simm.s32 @p1 $0x1  }
0x15: {  	[smem:$0x3FAE] =	sst s0;
	s0 =	simm.s32 @!p2 $0x0  }
0x16: {  	s3 =	sld [smem:$0x3FDB];
	s0 =	simm.s32 @p2 $0x1  }
0x17: {  	s4 =	simm.s32 $0x1BF5;
	[smem:$0x3FB0] =	sst s0  }
0x18: {  	s0 =	sld [smem:$0x3F93];
	_ =	swait.ge [sflag:s4], $0x0  }
0x19: {  	s7 =	sld [smem:$0x3F94]  }
0x1a: {  	s8 =	sadd.s32 $0xFFFFE003, lr  }
0x1b: {  	s9 =	sadd.s32 $0xFFFFFEF7, lr;
	s5 =	simm.s32 $0xFFFFFFFF;
	p2 =	slt.u32 s8, $0xFFFFF086  }
0x1c: {  	p1 =	slt.u32 s9, $0xF7A;
	s5 =	simm.s32 @!p2 $0x0  }
0x1d: {  	s5 =	simm.s32 @p1 $0x1;
	p0 =	seq.s32 s7, s2  }
0x1e: {  	s7 =	smul.u32 @!p0 $0xF7A, s2;
	p2 =	seq.s32 @!p0 s5, $0x0  }
0x1f: {  	s9 =	smul.u32 $0xF7A, s1;
	s8 =	simm.s32 @!p0 $0x1BF5;
	p2 =	por !p2, p0  }
0x20: {  	[sflag:s8] =	ssyncset.s32 @!p0 $0xFFFFF086;
	s6 =	sadd.s32 @!p0 s3, s7;
	s7 =	simm.s32 @!p0 $0x108  }
0x21: {  	s3 =	sadd.s32 s3, s9;
	s6 =	sadd.s32 @!p0 $0x88, s6;
	s7 =	simm.s32 @p2 $0x1082  }
0x22: {  	[simem:s7], [sflag:s8] =	dma.local @!p0 [hbm:s6], $0xF7A  }
0x23: {  	s9 =	sor.u32 $0xD0000000, s2;
	s6 =	simm.s32 $0x108;
	_ =	swait.ge @!p0 [sflag:s8], $0x0  }
0x24: {  	s3 =	sadd.s32 $0x88, s3;
	s6 =	simm.s32 @!p1 $0x1082;
	[sflag:s4] =	ssyncset.s32 $0xFFFFF086  }
0x25: {  	[simem:s6], [sflag:s4] =	dma.local [hbm:s3], $0xF7A  }
0x26: {  	[smem:$0x3F94] =	sst s1;
	(tag) =	ssettag s2;
	_ =	strace s9  }
0x27: {  	s1 =	sld [smem:$0x3FA4]  }
0x28: {  	s2 =	sld [smem:$0x3FA5]  }
0x29: {  	s4 =	sld [smem:$0x3FA7]  }
0x2a: {  	p0 =	seq.s32 s5, $0x0;
	s5 =	sld [smem:$0x3FA8]  }
0x2b: {  	s6 =	sld [smem:$0x3FA9]  }
0x2c: {  	s7 =	sld [smem:$0x3FAA]  }
0x2d: {  	s3 =	simm.s32 $0x108;
	s8 =	sld [smem:$0x3FAB]  }
0x2e: {  	s3 =	simm.s32 @!p0 $0x1082;
	s9 =	sld [smem:$0x3FAC]  }
0x2f: {  	lr =	sadd.s32 s0, s3;
	s0 =	sld [smem:$0x3FA3]  }
0x30: {  	s3 =	sld [smem:$0x3FA6]  }
0x31: {  	[smem:$0x3FAF] =	sst s10  }
0x32: {  	s10 =	sld [smem:$0x3FAD];
	_ =	sdelay $0x3  }
0x33: {  	p0 =	seq.s32 s10, $0x1;
	s10 =	sld [smem:$0x3FAF];
	_ =	sdelay $0x3  }
0x34: {  	[smem:$0x3FAF] =	sst s10  }
0x35: {  	s10 =	sld [smem:$0x3FAE];
	_ =	sdelay $0x3  }
0x36: {  	p1 =	seq.s32 s10, $0x1;
	s10 =	sld [smem:$0x3FAF];
	_ =	sdelay $0x3  }
0x37: {  	[smem:$0x3FAF] =	sst s10  }
0x38: {  	s10 =	sld [smem:$0x3FB0]  }
0x39: {  	_ = 	snop;
	(pc) =	sbr.ind lr, $3  }
0x3a: {  	_ = 	snop  }
0x3b: {  	_ = 	snop  }
0x3c: {  	p2 =	seq.s32 s10, $0x1;
	s10 =	sld [smem:$0x3FAF]  }
0x3d: {  	_ =	shalt  }
0x3e: {  	_ =	shalt  }
0x3f: {  	_ =	shalt  }
0x40: {  	_ =	shalt  }
0x41: {  	_ =	shalt  }
0x42: {  	_ =	shalt  }
0x43: {  	_ =	shalt  }
0x44: {  	_ =	shalt  }
0x45: {  	_ =	shalt  }
0x46: {  	_ =	shalt  }
0x47: {  	_ =	shalt  }
0x48: {  	_ =	shalt  }
0x49: {  	_ =	shalt  }
0x4a: {  	_ =	shalt  }
0x4b: {  	_ =	shalt  }
0x4c: {  	_ =	shalt  }
0x4d: {  	_ =	shalt  }
0x4e: {  	_ =	shalt  }
0x4f: {  	_ =	shalt  }
0x50: {  	_ =	shalt  }
0x51: {  	_ =	shalt  }
0x52: {  	_ =	shalt  }
0x53: {  	_ =	shalt  }
0x54: {  	_ =	shalt  }
0x55: {  	_ =	shalt  }
0x56: {  	_ =	shalt  }
0x57: {  	_ =	shalt  }
0x58: {  	_ =	shalt  }
0x59: {  	_ =	shalt  }
0x5a: {  	_ =	shalt  }
0x5b: {  	_ =	shalt  }
0x5c: {  	_ =	shalt  }
0x5d: {  	_ =	shalt  }
0x5e: {  	_ =	shalt  }
0x5f: {  	_ =	shalt  }
0x60: {  	_ =	shalt  }
0x61: {  	_ =	shalt  }
0x62: {  	_ =	shalt  }
0x63: {  	_ =	shalt  }
0x64: {  	_ =	shalt  }
0x65: {  	_ =	shalt  }
0x66: {  	_ =	shalt  }
0x67: {  	_ =	shalt  }
0x68: {  	_ =	shalt  }
0x69: {  	_ =	shalt  }
0x6a: {  	_ =	shalt  }
0x6b: {  	_ =	shalt  }
0x6c: {  	_ =	shalt  }
0x6d: {  	_ =	shalt  }
0x6e: {  	_ =	shalt  }
0x6f: {  	_ =	shalt  }
0x70: {  	_ =	shalt  }
0x71: {  	_ =	shalt  }
0x72: {  	_ =	shalt  }
0x73: {  	_ =	shalt  }
0x74: {  	_ =	shalt  }
0x75: {  	_ =	shalt  }
0x76: {  	_ =	shalt  }
0x77: {  	_ =	shalt  }
0x78: {  	_ =	shalt  }
0x79: {  	_ =	shalt  }
0x7a: {  	_ =	shalt  }
0x7b: {  	_ =	shalt  }
0x7c: {  	_ =	shalt  }
0x7d: {  	_ =	shalt  }
0x7e: {  	_ =	shalt  }
0x7f: {  	_ =	shalt  }
0x80: {  	_ =	shalt  }
0x81: {  	_ =	shalt  }
0x82: {  	_ =	shalt  }
0x83: {  	_ =	shalt  }
0x84: {  	_ =	shalt  }
0x85: {  	_ =	shalt  }
0x86: {  	_ =	shalt  }
0x87: {  	_ =	shalt  }
.Lfunc_end0:
.L_simem_size_0:
called_computation.1_lowered:
.L_overlay_start_0:
0x88: {  	s2 =	sld [smem:$0x3FD9]  }
0x89: {  	s3 =	sld [smem:$0x3FFE];
	_ =	sdelay $0x1  }
0x8a: {  	s1 =	srdreg.scid  }
0x8b: {  	s0 =	sand.u32 $0x1, s1  }
0x8c: {  	s17 =	sshll.u32 s0, $0xA;
	s2 =	sadd.s32 s3, s2  }
0x8d: {  	s2 =	sadd.s32 s2, s17  }
0x8e: {  	[smem:$0x3FBB] =	sst s2  }
0x8f: {  	_ = 	snop  }
0x90: {  	s18 =	sld [smem:$0x3FD0];
	(tm) =	ssettm $0x1  }
0x91: {  	s19 =	sld [smem:$0x3FFB];
	_ =	sdelay $0x3  }
0x92: {  	_ =	strace s19  }
0x93: {  	s2 =	sld [smem:$0x3FFC];
	_ =	sdelay $0x3  }
0x94: {  	_ =	strace s2  }
0x95: {  	s2 =	sld [smem:$0x3FFD];
	_ =	sdelay $0x3  }
0x96: {  	_ =	strace s2  }
0x97: {  	_ =	strace $0x8FFFFFFF  }
0x98: {  	s20 =	sld [smem:$0x3FDB];
	_ =	sdelay $0x1  }
0x99: {  	s4 =	simm.s32 $_scs_section_size  }
0x9a: {  	s5 =	simm.s32 $_size__tile_overlayer_lowered;
	s6 =	simm.s32 $_tile_overlayer_lowered  }
0x9b: {  	s7 =	simm.s32 $0x1BFF;
	s21 =	sshll.u32 s6, $0x1;
	s4 =	sadd.s32 s4, s20  }
0x9c: {  	s22 =	simm.s32 $0x0;
	s5 =	sshll.u32 s5, $0x1;
	s6 =	sadd.s32 s21, s4  }
0x9d: {  	[timem:s22], [sflag:s7] =	dma.local [hbm:s6], s5  }
0x9e: {  	_ =	swait.ge [sflag:s7], s5  }
0x9f: {  	s5 =	ssub.s32 $0x0, s5;
	[sflag:s7] =	ssyncset.done $0x0  }
0xa0: {  	[sflag:s7] =	ssyncadd.s32 s5;
	_ =	sdelay $0x1  }
0xa1: {  	s23 =	simm.s32 $0x1B8B  }
0xa2: {  	_ =	swait.ge [sflag:s23], $0x1  }
0xa3: {  	[sflag:s23] =	ssyncset.done $0x0  }
0xa4: {  	[sflag:s23] =	ssyncadd.s32 $0xFFFFFFFF  }
0xa5: {  	s5 =	sld [smem:$0x0]  }
0xa6: {  	s6 =	sand.u32 $0xFFFFFFFE, s1  }
0xa7: {  	p0 =	sne.s32 s1, s6  }
0xa8: {  	s6 =	sshll.u32 @p0 s6, $0xE  }
0xa9: {  	s6 =	sadd.s32 @p0 $0x11B8D, s6;
	s7 =	sshll.u32 @p0 s5, $0x11  }
0xaa: {  	s6 =	sor.u32 @p0 s7, s6  }
0xab: {  	[sflag:s6] =	ssyncadd.remote.s32 @p0 $0x1;
	_ =	sdelay $0x1  }
0xac: {  	s6 =	simm.s32 @p0 $0x1B8D  }
0xad: {  	_ =	swait.eq @p0 [sflag:s6], $0x1  }
0xae: {  	[sflag:s6] =	ssyncadd.s32 @p0 $0xFFFFFFFF  }
0xaf: {  	s7 =	sshll.u32 @!p0 s1, $0xE  }
0xb0: {  	s7 =	sor.u32 @!p0 $0x4000, s7;
	s6 =	simm.s32 @!p0 $0x1B8D  }
0xb1: {  	s5 =	sshll.u32 @!p0 s5, $0x11;
	s7 =	sadd.s32 @!p0 $0x11B8D, s7;
	_ =	swait.eq @!p0 [sflag:s6], $0x1  }
0xb2: {  	s5 =	sor.u32 @!p0 s5, s7;
	[sflag:s6] =	ssyncadd.s32 @!p0 $0xFFFFFFFF  }
0xb3: {  	s25 =	simm.s32 $0x1B8E;
	s24 =	sld [smem:$0x3FFE];
	[sflag:s5] =	ssyncadd.remote.s32 @!p0 $0x1  }
0xb4: {  	s26 =	simm.s32 $execute0_lowered;
	[smem:$0x3FD2] =	sst s25  }
0xb5: {  	s6 =	sshll.u32 s26, $0x1;
	_ =	strace $0x80000049;
	[dreg:$0x1] =	wrdreg $0xFFFFFFFF  }
0xb6: {  	s28 =	simm.s32 $_size_execute0_lowered;
	s4 =	sadd.s32 s4, s6;
	[dreg:$0x0] =	wrdreg $0x0  }
0xb7: {  	s6 =	sshll.u32 s28, $0x1;
	[dreg:$0x2] =	wrdreg s4  }
0xb8: {  	[dreg:$0x3] =	wrdreg s6  }
0xb9: {  	[dreg:$0x4] =	wrdreg $0xC0  }
0xba: {  	_ =	task [dreg:s22], $0x5FFFF  }
0xbb: {  	[dreg:$0x1] =	wrdreg $0xFFFFFFFF  }
0xbc: {  	[dreg:$0x0] =	wrdreg $0x60  }
0xbd: {  	[dreg:$0x2] =	wrdreg s18  }
0xbe: {  	[dreg:$0x3] =	wrdreg s24  }
0xbf: {  	[dreg:$0x4] =	wrdreg $0x2C800  }
0xc0: {  	[dreg:$0x5] =	wrdreg $0xA  }
0xc1: {  	_ =	task.clear_ibuf [dreg:s22], $0x6FFFF;
	_ =	strace $0x90000049  }
0xc2: {  	s29 =	simm.s32 $0xA;
	_ =	strace $0x8000004B  }
0xc3: {  	_ =	swait.ge [sflag:s29], $0x1  }
0xc4: {  	[sflag:s29] =	ssyncadd.s32 $0xFFFFFFFF  }
0xc5: {  	_ =	strace $0x9000004B  }
0xc6: {  	_ =	sfence  }
0xc7: {  	s30 =	sld [smem:$0x0];
	_ =	sdelay $0x2  }
0xc8: {  	s31 =	sshll.u32 s1, $0xD;
	s1 =	sshrl.u32 s1, $0x2  }
0xc9: {  	s4 =	sand.u32 $0x4000, s31;
	s1 =	sadd.s32 s1, s30  }
0xca: {  	s0 =	sor.u32 s4, s0;
	s1 =	sshll.u32 s1, $0x11  }
0xcb: {  	s0 =	sor.u32 s1, s0  }
0xcc: {  	s0 =	sadd.s32 $0x8F2B, s0  }
0xcd: {  	[sflag:s0] =	ssyncadd.remote.s32 $0x1  }
0xce: {  	_ =	sfence.sel $0xFFFF  }
0xcf: {  	[dreg:$0x0] =	wrdreg $0xFFFFFFFF;
	(pc) =	sbr.abs _section_cstart, $3  }
0xd0: {  	[dreg:$0x1] =	wrdreg $0xFFFFFFFF  }
0xd1: {  	_ =	task.clear_ibuf [dreg:s22], $0x2FFFF;
	_ =	strace $0x9FFFFFFF  }
0xd2: {  	(tm) =	ssettm $0x7FFFFFFF  }
0xd3: {  	_ =	shalt  }
tec
execute0_lowered:
.L_overlay_start_1:
0x0: {  	(tag) =	ssettag $0x1  }
0x1: {  	s8 =	rddreg [dreg:$0x0]  }
0x2: {  	s6 =	rddreg [dreg:$0x1];
	s2 =	srdreg.scid  }
0x3: {  	s1 =	rddreg [dreg:$0x2];
	s5 =	sand.u32 $0x1, s2  }
0x4: {  	s2 =	stileid.u32;
	s7 =	smul.u32 $0x27800, s5  }
0x5: {  	s0 =	rddreg [dreg:$0x3];
	s3 =	simm.s32 $0x0;
	s9 =	smul.u32 $0x4F000, s2  }
0x6: {  	s14 =	simm.s32 $0x0;
	[smem:$0x7FF] =	sst s3;
	s10 =	smul.u32 $0x4E20, s2  }
0x7: {  	s4 =	sadd.s32 $0x5BA00, s6;
	_ =	strace $0x8000004A;
	s12 =	smul.u32 $0x2710, s5  }
0x8: {  	s11 =	ssub.s32 $0x2, s5;
	s5 =	sadd.s32 $0xC800, s6;
	s30 =	smul.u32 $0x2780, s2  }
0x9: {  	s26 =	sshrl.u32 s11, $0x1;
	s13 =	sadd.s32 s7, s6;
	s28 =	sshrl.u32 s9, $0x2  }
0xa: {  	s29 =	sadd.s32 s12, s10;
	s11 =	ssub.s32 s11, s26;
	s10 =	simm.s32 $0x2880  }
0xb: {  	s12 =	simm.s32 $0x80;
	s6 =	sadd.s32 s28, s1;
	s9 =	sshrl.u32 s29, $0x3  }
0xc: {  	s7 =	smax.u32 s11, $0x1;
	s31 =	sadd.s32 s30, s13;
	s11 =	simm.s32 $0x1  }
0xd: {  	s13 =	simm.s32 $0x50;
	s8 =	sadd.s32 s9, s8;
	s9 =	sadd.s32 $0x5C000, s31  }
.LBB2_1:
0xe: {  	[tilespmem:s10], [sflag:$0x1] =	stream.linear.gather [hbm4b:s5+s3], $0x400, $0x38;
	[tilespmem:$0x16880] =	vst v63  }
0xf: {  	_ =	swait.ge [sflag:s11], $0x400  }
0x10: {  	[sflag:s11] =	ssyncset.done $0x0  }
0x11: {  	[sflag:s11] =	ssyncadd.s32 $0xFFFFFC00  }
0x12: {  	[tilespmem:s12], [sflag:$0x1] =	stream.linear.gather [hbm4b:s4+s3], $0x2800, $0x38;
	[tilespmem:$0x16880] =	vst v63  }
0x13: {  	_ =	swait.ge [sflag:s11], $0x2800  }
0x14: {  	[sflag:s11] =	ssyncset.done $0x0  }
0x15: {  	s15 =	sadd.s32 $0x0, s6;
	[sflag:s11] =	ssyncadd.s32 $0xFFFFD800  }
0x16: {  	[spmem:s15] =	stream.linear.scatter [tilespmem:s10], [sflag:$0x1], $0x400, $0x38;
	[tilespmem:$0x16880] =	vst v63  }
0x17: {  	s15 =	simm.s32 $0x1000;
	_ =	swait.ge [sflag:s11], $0x400  }
.LBB2_2:
0x18: {  	s16 =	sshra.s32 s15, $0x2;
	[sflag:s11] =	ssyncset.done $0x0;
	p0 =	sne.s32 s15, $0x4E000  }
.Ltmp0:
0x19: {  	s16 =	sadd.s32 s16, s6;
	[sflag:s11] =	ssyncadd.s32 $0xFFFFFC00;
	(pc) =	sbr.rel @p0 .LBB2_2-.Ltmp0, $3  }
0x1a: {  	[spmem:s16] =	stream.linear.scatter [tilespmem:s10], [sflag:$0x1], $0x400, $0x38;
	[tilespmem:$0x16880] =	vst v63  }
0x1b: {  	s15 =	sadd.s32 $0x1000, s15;
	_ =	sdelay $0x1  }
0x1c: {  	_ =	swait.ge [sflag:s11], $0x400  }
0x1d: {  	[sflag:s11] =	ssyncset.done $0x0  }
0x1e: {  	[sflag:s11] =	ssyncadd.s32 $0xFFFFFC00  }
0x1f: {  	s15 =	sadd.s32 $0x0, s8;
	[bflag:$0x0] =	sbarrier.arrive $0xFFFF  }
0x20: {  	[tilespmem:s3], [sflag:$0x1] =	stream.linear.gather [hbm4b:s15+s3], $0x50, $0x38;
	[tilespmem:$0x16880] =	vst v63  }
0x21: {  	_ =	swait.ge [sflag:s11], $0x50  }
0x22: {  	[sflag:s11] =	ssyncset.done $0x0  }
0x23: {  	[sflag:s11] =	ssyncadd.s32 $0xFFFFFFB0  }
0x24: {  	[spmem:s1] =	stream.indirect.scatter.add.f32 [tilespmem:s12], [sflag:$0x1], $0x80, s3, s13, $0xb8;
	[tilespmem:$0x16880] =	vst v63  }
0x25: {  	_ =	swait.ge [sflag:s11], $0x2800  }
0x26: {  	s16 =	simm.s32 $0x14;
	s15 =	simm.s32 $0xA;
	[sflag:s11] =	ssyncset.done $0x0  }
.LBB2_4:
0x27: {  	s17 =	sadd.s32 s15, s8  }
0x28: {  	[sflag:s11] =	ssyncadd.s32 $0xFFFFD800;
	s15 =	smov.u32 s16;
	s18 =	sadd.s32 $0xA, s16  }
0x29: {  	[tilespmem:s3], [sflag:$0x1] =	stream.linear.gather [hbm4b:s17+s3], $0x50, $0x38;
	[tilespmem:$0x16880] =	vst v63  }
0x2a: {  	p0 =	sne.s32 s16, $0x4D8;
	_ =	swait.ge [sflag:s11], $0x50  }
.Ltmp1:
0x2b: {  	[sflag:s11] =	ssyncset.done $0x0;
	(pc) =	sbr.rel @p0 .LBB2_4-.Ltmp1, $4  }
0x2c: {  	[sflag:s11] =	ssyncadd.s32 $0xFFFFFFB0  }
0x2d: {  	[spmem:s1] =	stream.indirect.scatter.add.f32 [tilespmem:s12], [sflag:$0x1], $0x80, s3, s13, $0xb8;
	[tilespmem:$0x16880] =	vst v63  }
0x2e: {  	_ =	swait.ge [sflag:s11], $0x2800  }
0x2f: {  	s16 =	smov.u32 s18;
	[sflag:s11] =	ssyncset.done $0x0  }
0x30: {  	s15 =	sadd.s32 s15, s8;
	[sflag:s11] =	ssyncadd.s32 $0xFFFFD800  }
0x31: {  	[tilespmem:s3], [sflag:$0x1] =	stream.linear.gather [hbm4b:s15+s3], $0x50, $0x38;
	[tilespmem:$0x16880] =	vst v63  }
0x32: {  	_ =	swait.ge [sflag:s11], $0x50  }
0x33: {  	[sflag:s11] =	ssyncset.done $0x0  }
0x34: {  	[sflag:s11] =	ssyncadd.s32 $0xFFFFFFB0  }
0x35: {  	[spmem:s1] =	stream.indirect.scatter.add.f32 [tilespmem:s12], [sflag:$0x1], $0x80, s3, s13, $0xb8;
	[tilespmem:$0x16880] =	vst v63  }
0x36: {  	_ =	swait.ge [sflag:s11], $0x2800  }
0x37: {  	[sflag:s11] =	ssyncset.done $0x0  }
0x38: {  	[sflag:s11] =	ssyncadd.s32 $0xFFFFD800  }
0x39: {  	[bflag:$0x0] =	sbarrier.arrive $0xFFFF  }
0x3a: {  	[tilespmem:s10], [sflag:$0x1] =	stream.linear.gather [spmem:s6], $0x400, $0x38;
	[tilespmem:$0x16880] =	vst v63  }
0x3b: {  	_ =	swait.ge [sflag:s11], $0x400  }
0x3c: {  	[sflag:s11] =	ssyncset.done $0x0  }
0x3d: {  	s31 =	sadd.s32 $0x0, s9;
	[sflag:s11] =	ssyncadd.s32 $0xFFFFFC00  }
0x3e: {  	[hbm4b:s31+s3] =	stream.linear.scatter [tilespmem:s10], [sflag:$0x1], $0x400, $0x38;
	[tilespmem:$0x16880] =	vst v63  }
0x3f: {  	_ =	swait.ge [sflag:s11], $0x400  }
0x40: {  	s16 =	smov.u32 s6;
	s15 =	simm.s32 $0x80;
	[sflag:s11] =	ssyncset.done $0x0  }
.LBB2_6:
0x41: {  	p0 =	sne.s32 s15, $0x2700;
	[sflag:s11] =	ssyncadd.s32 $0xFFFFFC00;
	s16 =	sadd.s32 $0x400, s16  }
0x42: {  	[tilespmem:s10], [sflag:$0x1] =	stream.linear.gather [spmem:s16], $0x400, $0x38;
	[tilespmem:$0x16880] =	vst v63  }
0x43: {  	s17 =	smov.u32 s15;
	s15 =	sadd.s32 $0x80, s15;
	_ =	swait.ge [sflag:s11], $0x400  }
.Ltmp2:
0x44: {  	[sflag:s11] =	ssyncset.done $0x0;
	(pc) =	sbr.rel @p0 .LBB2_6-.Ltmp2, $4  }
0x45: {  	s17 =	sadd.s32 s17, s9;
	[sflag:s11] =	ssyncadd.s32 $0xFFFFFC00  }
0x46: {  	[hbm4b:s17+s3] =	stream.linear.scatter [tilespmem:s10], [sflag:$0x1], $0x400, $0x38;
	[tilespmem:$0x16880] =	vst v63  }
0x47: {  	_ =	swait.ge [sflag:s11], $0x400  }
0x48: {  	[sflag:s11] =	ssyncset.done $0x0  }
0x49: {  	s14 =	sadd.s32 $0x1, s14  }
0x4a: {  	p0 =	sne.s32 s14, s7  }
.Ltmp3:
0x4b: {  	_ = 	snop;
	(pc) =	sbr.rel @p0 .LBB2_1-.Ltmp3, $2  }
0x4c: {  	_ =	sdelay $0x2  }
0x4d: {  	[sflag:s11] =	ssyncadd.s32 $0xFFFFFC00  }
0x4e: {  	_ =	sfence.sel $0x180000  }
0x4f: {  	[bflag:$0x0] =	sbarrier.arrive $0xFFFF  }
0x50: {  	p0 =	sne.s32 s2, $0x0;
	_ =	strace $0x9000004A  }
0x51: {  	s0 =	sadd.s32 @!p0 $0x100000, s0;
	[bflag:$0x2] =	sbarrier.arrive $0xFFFF  }
0x52: {  	[sflag:s0] =	ssyncadd.tile.s32 @!p0 $0x1;
	_ =	shalt  }
.Lfunc_end2:
_tile_overlayer_lowered:
.L_overlay_start_2:
0x53: {  	(tag) =	ssettag $0x2  }
0x54: {  	s0 =	rddreg [dreg:$0x0];
	s2 =	stileid.u32  }
0x55: {  	s1 =	rddreg [dreg:$0x1];
	p0 =	sne.s32 s2, $0x0  }
0x56: {  	s3 =	rddreg [dreg:$0x2];
	[bflag:$0x3] =	sbarrier.arrive $0xFFFF;
	s2 =	simm.s32 @!p0 $0x1C01  }
0x57: {  	[timem:s3], [sflag:s2] =	dma.local @!p0 [hbm:s0], s1  }
0x58: {  	s0 =	simm.s32 @!p0 $0x1  }
0x59: {  	_ =	swait.ge @!p0 [sflag:s0], s1  }
0x5a: {  	s1 =	ssub.s32 @!p0 $0x0, s1;
	[sflag:s0] =	ssyncset.done @!p0 $0x0  }
0x5b: {  	[sflag:s0] =	ssyncadd.s32 @!p0 s1  }
0x5c: {  	[bflag:$0x3] =	sbarrier.arrive $0xFFFF  }
0x5d: {  	_ =	shalt  }

// kernel: kernel.15.cloned.1.call-start
scs
__scs_entry_jumppad:
0x0: {  	(pc) =	sbr.rel $0x88, $3  }
0x1: {  	(tag) =	ssettag $0x0;
	lr =	simm.s32 $0x1  }
0x2: {  	[smem:$0x3F94] =	sst lr;
	_ =	strace $0xD0000000  }
0x3: {  	_ = 	snop  }
0x4: {  	_ = 	snop  }
0x5: {  	_ = 	snop  }
0x6: {  	_ = 	snop  }
0x7: {  	_ = 	snop  }
__scs_overlays_trampoline_lowered:
0x8: {  	[smem:$0x3FA3] =	sst s0  }
0x9: {  	[smem:$0x3FA4] =	sst s1  }
0xa: {  	[smem:$0x3FA5] =	sst s2  }
0xb: {  	[smem:$0x3FA6] =	sst s3  }
0xc: {  	[smem:$0x3FA7] =	sst s4  }
0xd: {  	[smem:$0x3FA8] =	sst s5  }
0xe: {  	[smem:$0x3FA9] =	sst s6  }
0xf: {  	[smem:$0x3FAA] =	sst s7  }
0x10: {  	[smem:$0x3FAB] =	sst s8  }
0x11: {  	[smem:$0x3FAC] =	sst s9;
	s0 =	simm.s32 @!p0 $0x0  }
0x12: {  	s1 =	sld [smem:$0x3F92];
	s0 =	simm.s32 @p0 $0x1  }
0x13: {  	[smem:$0x3FAD] =	sst s0;
	s0 =	simm.s32 @!p1 $0x0  }
0x14: {  	s2 =	sld [smem:$0x3F91];
	s0 =	simm.s32 @p1 $0x1  }
0x15: {  	[smem:$0x3FAE] =	sst s0;
	s0 =	simm.s32 @!p2 $0x0  }
0x16: {  	s3 =	sld [smem:$0x3FDB];
	s0 =	simm.s32 @p2 $0x1  }
0x17: {  	s4 =	simm.s32 $0x1BF5;
	[smem:$0x3FB0] =	sst s0  }
0x18: {  	s0 =	sld [smem:$0x3F93];
	_ =	swait.ge [sflag:s4], $0x0  }
0x19: {  	s7 =	sld [smem:$0x3F94]  }
0x1a: {  	s8 =	sadd.s32 $0xFFFFE003, lr  }
0x1b: {  	s9 =	sadd.s32 $0xFFFFFEF7, lr;
	s5 =	simm.s32 $0xFFFFFFFF;
	p2 =	slt.u32 s8, $0xFFFFF086  }
0x1c: {  	p1 =	slt.u32 s9, $0xF7A;
	s5 =	simm.s32 @!p2 $0x0  }
0x1d: {  	s5 =	simm.s32 @p1 $0x1;
	p0 =	seq.s32 s7, s2  }
0x1e: {  	s7 =	smul.u32 @!p0 $0xF7A, s2;
	p2 =	seq.s32 @!p0 s5, $0x0  }
0x1f: {  	s9 =	smul.u32 $0xF7A, s1;
	s8 =	simm.s32 @!p0 $0x1BF5;
	p2 =	por !p2, p0  }
0x20: {  	[sflag:s8] =	ssyncset.s32 @!p0 $0xFFFFF086;
	s6 =	sadd.s32 @!p0 s3, s7;
	s7 =	simm.s32 @!p0 $0x108  }
0x21: {  	s3 =	sadd.s32 s3, s9;
	s6 =	sadd.s32 @!p0 $0x88, s6;
	s7 =	simm.s32 @p2 $0x1082  }
0x22: {  	[simem:s7], [sflag:s8] =	dma.local @!p0 [hbm:s6], $0xF7A  }
0x23: {  	s9 =	sor.u32 $0xD0000000, s2;
	s6 =	simm.s32 $0x108;
	_ =	swait.ge @!p0 [sflag:s8], $0x0  }
0x24: {  	s3 =	sadd.s32 $0x88, s3;
	s6 =	simm.s32 @!p1 $0x1082;
	[sflag:s4] =	ssyncset.s32 $0xFFFFF086  }
0x25: {  	[simem:s6], [sflag:s4] =	dma.local [hbm:s3], $0xF7A  }
0x26: {  	[smem:$0x3F94] =	sst s1;
	(tag) =	ssettag s2;
	_ =	strace s9  }
0x27: {  	s1 =	sld [smem:$0x3FA4]  }
0x28: {  	s2 =	sld [smem:$0x3FA5]  }
0x29: {  	s4 =	sld [smem:$0x3FA7]  }
0x2a: {  	p0 =	seq.s32 s5, $0x0;
	s5 =	sld [smem:$0x3FA8]  }
0x2b: {  	s6 =	sld [smem:$0x3FA9]  }
0x2c: {  	s7 =	sld [smem:$0x3FAA]  }
0x2d: {  	s3 =	simm.s32 $0x108;
	s8 =	sld [smem:$0x3FAB]  }
0x2e: {  	s3 =	simm.s32 @!p0 $0x1082;
	s9 =	sld [smem:$0x3FAC]  }
0x2f: {  	lr =	sadd.s32 s0, s3;
	s0 =	sld [smem:$0x3FA3]  }
0x30: {  	s3 =	sld [smem:$0x3FA6]  }
0x31: {  	[smem:$0x3FAF] =	sst s10  }
0x32: {  	s10 =	sld [smem:$0x3FAD];
	_ =	sdelay $0x3  }
0x33: {  	p0 =	seq.s32 s10, $0x1;
	s10 =	sld [smem:$0x3FAF];
	_ =	sdelay $0x3  }
0x34: {  	[smem:$0x3FAF] =	sst s10  }
0x35: {  	s10 =	sld [smem:$0x3FAE];
	_ =	sdelay $0x3  }
0x36: {  	p1 =	seq.s32 s10, $0x1;
	s10 =	sld [smem:$0x3FAF];
	_ =	sdelay $0x3  }
0x37: {  	[smem:$0x3FAF] =	sst s10  }
0x38: {  	s10 =	sld [smem:$0x3FB0]  }
0x39: {  	_ = 	snop;
	(pc) =	sbr.ind lr, $3  }
0x3a: {  	_ = 	snop  }
0x3b: {  	_ = 	snop  }
0x3c: {  	p2 =	seq.s32 s10, $0x1;
	s10 =	sld [smem:$0x3FAF]  }
0x3d: {  	_ =	shalt  }
0x3e: {  	_ =	shalt  }
0x3f: {  	_ =	shalt  }
0x40: {  	_ =	shalt  }
0x41: {  	_ =	shalt  }
0x42: {  	_ =	shalt  }
0x43: {  	_ =	shalt  }
0x44: {  	_ =	shalt  }
0x45: {  	_ =	shalt  }
0x46: {  	_ =	shalt  }
0x47: {  	_ =	shalt  }
0x48: {  	_ =	shalt  }
0x49: {  	_ =	shalt  }
0x4a: {  	_ =	shalt  }
0x4b: {  	_ =	shalt  }
0x4c: {  	_ =	shalt  }
0x4d: {  	_ =	shalt  }
0x4e: {  	_ =	shalt  }
0x4f: {  	_ =	shalt  }
0x50: {  	_ =	shalt  }
0x51: {  	_ =	shalt  }
0x52: {  	_ =	shalt  }
0x53: {  	_ =	shalt  }
0x54: {  	_ =	shalt  }
0x55: {  	_ =	shalt  }
0x56: {  	_ =	shalt  }
0x57: {  	_ =	shalt  }
0x58: {  	_ =	shalt  }
0x59: {  	_ =	shalt  }
0x5a: {  	_ =	shalt  }
0x5b: {  	_ =	shalt  }
0x5c: {  	_ =	shalt  }
0x5d: {  	_ =	shalt  }
0x5e: {  	_ =	shalt  }
0x5f: {  	_ =	shalt  }
0x60: {  	_ =	shalt  }
0x61: {  	_ =	shalt  }
0x62: {  	_ =	shalt  }
0x63: {  	_ =	shalt  }
0x64: {  	_ =	shalt  }
0x65: {  	_ =	shalt  }
0x66: {  	_ =	shalt  }
0x67: {  	_ =	shalt  }
0x68: {  	_ =	shalt  }
0x69: {  	_ =	shalt  }
0x6a: {  	_ =	shalt  }
0x6b: {  	_ =	shalt  }
0x6c: {  	_ =	shalt  }
0x6d: {  	_ =	shalt  }
0x6e: {  	_ =	shalt  }
0x6f: {  	_ =	shalt  }
0x70: {  	_ =	shalt  }
0x71: {  	_ =	shalt  }
0x72: {  	_ =	shalt  }
0x73: {  	_ =	shalt  }
0x74: {  	_ =	shalt  }
0x75: {  	_ =	shalt  }
0x76: {  	_ =	shalt  }
0x77: {  	_ =	shalt  }
0x78: {  	_ =	shalt  }
0x79: {  	_ =	shalt  }
0x7a: {  	_ =	shalt  }
0x7b: {  	_ =	shalt  }
0x7c: {  	_ =	shalt  }
0x7d: {  	_ =	shalt  }
0x7e: {  	_ =	shalt  }
0x7f: {  	_ =	shalt  }
0x80: {  	_ =	shalt  }
0x81: {  	_ =	shalt  }
0x82: {  	_ =	shalt  }
0x83: {  	_ =	shalt  }
0x84: {  	_ =	shalt  }
0x85: {  	_ =	shalt  }
0x86: {  	_ =	shalt  }
0x87: {  	_ =	shalt  }
.Lfunc_end0:
.L_simem_size_0:
called_computation.2_lowered:
.L_overlay_start_0:
0x88: {  	s2 =	sld [smem:$0x3FD9]  }
0x89: {  	s3 =	sld [smem:$0x3FFE];
	_ =	sdelay $0x1  }
0x8a: {  	s1 =	srdreg.scid  }
0x8b: {  	s0 =	sand.u32 $0x1, s1  }
0x8c: {  	s17 =	sshll.u32 s0, $0xA;
	s2 =	sadd.s32 s3, s2  }
0x8d: {  	s2 =	sadd.s32 s2, s17  }
0x8e: {  	[smem:$0x3FBB] =	sst s2  }
0x8f: {  	_ = 	snop  }
0x90: {  	s2 =	sld [smem:$0x3FD0];
	(tm) =	ssettm $0x1  }
0x91: {  	s18 =	sld [smem:$0x3FFB];
	_ =	sdelay $0x3  }
0x92: {  	_ =	strace s18  }
0x93: {  	s3 =	sld [smem:$0x3FFC];
	_ =	sdelay $0x3  }
0x94: {  	_ =	strace s3  }
0x95: {  	s3 =	sld [smem:$0x3FFD];
	_ =	sdelay $0x3  }
0x96: {  	_ =	strace s3  }
0x97: {  	_ =	strace $0x8FFFFFFF  }
0x98: {  	s19 =	sld [smem:$0x3FDB];
	_ =	sdelay $0x1  }
0x99: {  	s4 =	simm.s32 $_scs_section_size  }
0x9a: {  	s5 =	simm.s32 $_size__tile_overlayer_lowered;
	s6 =	simm.s32 $_tile_overlayer_lowered  }
0x9b: {  	s22 =	simm.s32 $0x1BFF;
	s21 =	sshll.u32 s6, $0x1;
	s3 =	sadd.s32 s4, s19  }
0x9c: {  	s7 =	simm.s32 $0x0;
	s20 =	sshll.u32 s5, $0x1;
	s5 =	sadd.s32 s21, s3  }
0x9d: {  	[timem:s7], [sflag:s22] =	dma.local [hbm:s5], s20  }
0x9e: {  	_ =	swait.ge [sflag:s22], s20  }
0x9f: {  	s4 =	ssub.s32 $0x0, s20;
	[sflag:s22] =	ssyncset.done $0x0  }
0xa0: {  	[sflag:s22] =	ssyncadd.s32 s4;
	_ =	sdelay $0x1  }
0xa1: {  	s23 =	simm.s32 $0x1B8B  }
0xa2: {  	_ =	swait.ge [sflag:s23], $0x1  }
0xa3: {  	[sflag:s23] =	ssyncset.done $0x0  }
0xa4: {  	s25 =	simm.s32 $0x1B8E;
	s24 =	sld [smem:$0x3FFE];
	[sflag:s23] =	ssyncadd.s32 $0xFFFFFFFF  }
0xa5: {  	s26 =	simm.s32 $execute0_lowered;
	[smem:$0x3FD2] =	sst s25  }
0xa6: {  	s5 =	sshll.u32 s26, $0x1;
	_ =	strace $0x8000004C;
	[dreg:$0x1] =	wrdreg $0xFFFFFFFF  }
0xa7: {  	s28 =	simm.s32 $_size_execute0_lowered;
	s3 =	sadd.s32 s3, s5;
	[dreg:$0x0] =	wrdreg $0x0  }
0xa8: {  	s5 =	sshll.u32 s28, $0x1;
	[dreg:$0x2] =	wrdreg s3  }
0xa9: {  	[dreg:$0x3] =	wrdreg s5  }
0xaa: {  	[dreg:$0x4] =	wrdreg $0xC0  }
0xab: {  	_ =	task [dreg:s7], $0x5FFFF  }
0xac: {  	[dreg:$0x1] =	wrdreg $0xFFFFFFFF  }
0xad: {  	[dreg:$0x0] =	wrdreg $0x60  }
0xae: {  	[dreg:$0x2] =	wrdreg s24  }
0xaf: {  	[dreg:$0x3] =	wrdreg s2  }
0xb0: {  	[dreg:$0x4] =	wrdreg $0x2D000  }
0xb1: {  	[dreg:$0x5] =	wrdreg $0x9  }
0xb2: {  	_ =	task.clear_ibuf [dreg:s7], $0x6FFFF;
	_ =	strace $0x9000004C  }
0xb3: {  	s29 =	simm.s32 $0x9;
	_ =	strace $0x8000004E  }
0xb4: {  	_ =	swait.ge [sflag:s29], $0x1  }
0xb5: {  	[sflag:s29] =	ssyncadd.s32 $0xFFFFFFFF  }
0xb6: {  	_ =	strace $0x9000004E  }
0xb7: {  	_ =	sfence  }
0xb8: {  	s30 =	sld [smem:$0x0];
	_ =	sdelay $0x2  }
0xb9: {  	s31 =	sshll.u32 s1, $0xD;
	s1 =	sshrl.u32 s1, $0x2  }
0xba: {  	s3 =	sand.u32 $0x4000, s31;
	s1 =	sadd.s32 s1, s30  }
0xbb: {  	s0 =	sor.u32 s3, s0;
	s1 =	sshll.u32 s1, $0x11  }
0xbc: {  	s0 =	sor.u32 s1, s0  }
0xbd: {  	s0 =	sadd.s32 $0x8F2B, s0  }
0xbe: {  	[sflag:s0] =	ssyncadd.remote.s32 $0x1  }
0xbf: {  	_ =	sfence.sel $0xFFFF  }
0xc0: {  	[dreg:$0x0] =	wrdreg $0xFFFFFFFF;
	(pc) =	sbr.abs _section_cstart, $3  }
0xc1: {  	[dreg:$0x1] =	wrdreg $0xFFFFFFFF  }
0xc2: {  	_ =	task.clear_ibuf [dreg:s7], $0x2FFFF;
	_ =	strace $0x9FFFFFFF  }
0xc3: {  	(tm) =	ssettm $0x7FFFFFFF  }
tec
execute0_lowered:
.L_overlay_start_1:
0x0: {  	(tag) =	ssettag $0x1  }
0x1: {  	s6 =	rddreg [dreg:$0x0]  }
0x2: {  	s1 =	srdreg.scid;
	s8 =	rddreg [dreg:$0x1]  }
0x3: {  	s0 =	stileid.u32;
	s2 =	rddreg [dreg:$0x2]  }
0x4: {  	s3 =	simm.s32 $0x0;
	s15 =	simm.s32 $0x100;
	s4 =	smul.u32 $0x4E20, s0  }
0x5: {  	s16 =	simm.s32 $0x1;
	s7 =	sand.u32 $0x1, s1;
	s11 =	smul.u32 $0x4F000, s0  }
0x6: {  	s17 =	simm.s32 $0x0;
	s1 =	rddreg [dreg:$0x3];
	s5 =	smul.u32 $0x2710, s7  }
0x7: {  	[smem:$0x7FF] =	sst s3;
	s12 =	smul.u32 $0x27800, s7;
	s7 =	ssub.s32 $0x2, s7  }
0x8: {  	s14 =	smul.u32 $0x2780, s0;
	_ =	strace $0x8000004D;
	s13 =	sshrl.u32 s7, $0x1  }
0x9: {  	s11 =	sshrl.u32 s11, $0x2;
	s4 =	sadd.s32 s5, s4;
	s5 =	sadd.s32 $0xC800, s6  }
0xa: {  	s12 =	sadd.s32 s12, s6;
	s7 =	ssub.s32 s7, s13;
	s13 =	simm.s32 $0x80  }
0xb: {  	s9 =	sshrl.u32 s4, $0x3;
	s4 =	sadd.s32 $0x5AE00, s6;
	s7 =	smax.u32 s7, $0x1  }
0xc: {  	s31 =	sadd.s32 s14, s12;
	s12 =	simm.s32 $0x2;
	s14 =	simm.s32 $0x50  }
0xd: {  	s10 =	sadd.s32 s9, s6;
	s6 =	sadd.s32 s11, s2;
	s8 =	sadd.s32 s9, s8  }
0xe: {  	s11 =	simm.s32 $0x2900;
	s9 =	sadd.s32 $0x2A00, s10;
	s10 =	sadd.s32 $0x82000, s31  }
.LBB2_1:
0xf: {  	[tilespmem:s11], [sflag:$0x2] =	stream.linear.gather [hbm4b:s5+s3], $0x400, $0x38;
	[tilespmem:$0x16900] =	vst v63  }
0x10: {  	_ =	swait.ge [sflag:s12], $0x400  }
0x11: {  	[sflag:s12] =	ssyncset.done $0x0  }
0x12: {  	s18 =	sadd.s32 $0x0, s6;
	[sflag:s12] =	ssyncadd.s32 $0xFFFFFC00  }
0x13: {  	[spmem:s18] =	stream.linear.scatter [tilespmem:s11], [sflag:$0x2], $0x400, $0x38;
	[tilespmem:$0x16900] =	vst v63  }
0x14: {  	s18 =	simm.s32 $0x1000;
	_ =	swait.ge [sflag:s12], $0x400  }
.LBB2_2:
0x15: {  	s19 =	sshra.s32 s18, $0x2;
	[sflag:s12] =	ssyncset.done $0x0;
	p0 =	sne.s32 s18, $0x4E000  }
.Ltmp0:
0x16: {  	s19 =	sadd.s32 s19, s6;
	[sflag:s12] =	ssyncadd.s32 $0xFFFFFC00;
	(pc) =	sbr.rel @p0 .LBB2_2-.Ltmp0, $3  }
0x17: {  	[spmem:s19] =	stream.linear.scatter [tilespmem:s11], [sflag:$0x2], $0x400, $0x38;
	[tilespmem:$0x16900] =	vst v63  }
0x18: {  	s18 =	sadd.s32 $0x1000, s18;
	_ =	sdelay $0x1  }
0x19: {  	_ =	swait.ge [sflag:s12], $0x400  }
0x1a: {  	[sflag:s12] =	ssyncset.done $0x0  }
0x1b: {  	[sflag:s12] =	ssyncadd.s32 $0xFFFFFC00  }
0x1c: {  	s18 =	sadd.s32 $0x0, s9;
	[bflag:$0x0] =	sbarrier.arrive $0xFFFF  }
0x1d: {  	[tilespmem:s3], [sflag:$0x2] =	stream.linear.gather [hbm4b:s18+s3], $0x50, $0x38;
	[tilespmem:$0x16900] =	vst v63  }
0x1e: {  	_ =	swait.ge [sflag:s12], $0x50  }
0x1f: {  	[sflag:s12] =	ssyncset.done $0x0  }
0x20: {  	s31 =	sadd.s32 $0x0, s8;
	[sflag:s12] =	ssyncadd.s32 $0xFFFFFFB0  }
0x21: {  	[tilespmem:s13], [sflag:$0x2] =	stream.linear.gather [hbm4b:s31+s3], $0x50, $0x38;
	[tilespmem:$0x16900] =	vst v63  }
0x22: {  	_ =	swait.ge [sflag:s12], $0x50  }
0x23: {  	[sflag:s12] =	ssyncset.done $0x0  }
0x24: {  	[sflag:s12] =	ssyncadd.s32 $0xFFFFFFB0  }
0x25: {  	[tilespmem:s15], [sflag:$0x1] =	stream.indirect.gather [hbm4b:s4+s14], $0x80, s3, s14, $0xb8;
	[tilespmem:$0x16900] =	vst v63  }
0x26: {  	_ =	swait.ge [sflag:s16], $0x2800  }
0x27: {  	[sflag:s16] =	ssyncset.done $0x0  }
0x28: {  	[sflag:s16] =	ssyncadd.s32 $0xFFFFD800  }
0x29: {  	[spmem:s2] =	stream.indirect.scatter.add.f32 [tilespmem:s15], [sflag:$0x2], $0x80, s13, s14, $0xb8;
	[tilespmem:$0x16900] =	vst v63  }
0x2a: {  	_ =	swait.ge [sflag:s12], $0x2800  }
0x2b: {  	s19 =	simm.s32 $0x14;
	s18 =	simm.s32 $0xA;
	[sflag:s12] =	ssyncset.done $0x0  }
.LBB2_4:
0x2c: {  	s20 =	sadd.s32 s18, s9  }
0x2d: {  	[sflag:s12] =	ssyncadd.s32 $0xFFFFD800;
	s21 =	smov.u32 s19;
	s22 =	sadd.s32 $0xA, s19  }
0x2e: {  	[tilespmem:s3], [sflag:$0x2] =	stream.linear.gather [hbm4b:s20+s3], $0x50, $0x38;
	[tilespmem:$0x16900] =	vst v63  }
0x2f: {  	p0 =	sne.s32 s19, $0x4D8;
	_ =	swait.ge [sflag:s12], $0x50  }
0x30: {  	[sflag:s12] =	ssyncset.done $0x0  }
0x31: {  	s19 =	sadd.s32 s18, s8;
	s18 =	smov.u32 s21;
	[sflag:s12] =	ssyncadd.s32 $0xFFFFFFB0  }
0x32: {  	[tilespmem:s13], [sflag:$0x2] =	stream.linear.gather [hbm4b:s19+s3], $0x50, $0x38;
	[tilespmem:$0x16900] =	vst v63  }
0x33: {  	_ =	swait.ge [sflag:s12], $0x50  }
0x34: {  	[sflag:s12] =	ssyncset.done $0x0  }
0x35: {  	[sflag:s12] =	ssyncadd.s32 $0xFFFFFFB0  }
0x36: {  	[tilespmem:s15], [sflag:$0x1] =	stream.indirect.gather [hbm4b:s4+s14], $0x80, s3, s14, $0xb8;
	[tilespmem:$0x16900] =	vst v63  }
0x37: {  	_ =	swait.ge [sflag:s16], $0x2800  }
.Ltmp1:
0x38: {  	[sflag:s16] =	ssyncset.done $0x0;
	(pc) =	sbr.rel @p0 .LBB2_4-.Ltmp1, $4  }
0x39: {  	[sflag:s16] =	ssyncadd.s32 $0xFFFFD800  }
0x3a: {  	[spmem:s2] =	stream.indirect.scatter.add.f32 [tilespmem:s15], [sflag:$0x2], $0x80, s13, s14, $0xb8;
	[tilespmem:$0x16900] =	vst v63  }
0x3b: {  	_ =	swait.ge [sflag:s12], $0x2800  }
0x3c: {  	s19 =	smov.u32 s22;
	[sflag:s12] =	ssyncset.done $0x0  }
0x3d: {  	s19 =	sadd.s32 s18, s9;
	[sflag:s12] =	ssyncadd.s32 $0xFFFFD800  }
0x3e: {  	[tilespmem:s3], [sflag:$0x2] =	stream.linear.gather [hbm4b:s19+s3], $0x50, $0x38;
	[tilespmem:$0x16900] =	vst v63  }
0x3f: {  	_ =	swait.ge [sflag:s12], $0x50  }
0x40: {  	[sflag:s12] =	ssyncset.done $0x0  }
0x41: {  	s30 =	sadd.s32 s18, s8;
	[sflag:s12] =	ssyncadd.s32 $0xFFFFFFB0  }
0x42: {  	[tilespmem:s13], [sflag:$0x2] =	stream.linear.gather [hbm4b:s30+s3], $0x50, $0x38;
	[tilespmem:$0x16900] =	vst v63  }
0x43: {  	_ =	swait.ge [sflag:s12], $0x50  }
0x44: {  	[sflag:s12] =	ssyncset.done $0x0  }
0x45: {  	[sflag:s12] =	ssyncadd.s32 $0xFFFFFFB0  }
0x46: {  	[tilespmem:s15], [sflag:$0x1] =	stream.indirect.gather [hbm4b:s4+s14], $0x80, s3, s14, $0xb8;
	[tilespmem:$0x16900] =	vst v63  }
0x47: {  	_ =	swait.ge [sflag:s16], $0x2800  }
0x48: {  	[sflag:s16] =	ssyncset.done $0x0  }
0x49: {  	[sflag:s16] =	ssyncadd.s32 $0xFFFFD800  }
0x4a: {  	[spmem:s2] =	stream.indirect.scatter.add.f32 [tilespmem:s15], [sflag:$0x2], $0x80, s13, s14, $0xb8;
	[tilespmem:$0x16900] =	vst v63  }
0x4b: {  	_ =	swait.ge [sflag:s12], $0x2800  }
0x4c: {  	[sflag:s12] =	ssyncset.done $0x0  }
0x4d: {  	[sflag:s12] =	ssyncadd.s32 $0xFFFFD800  }
0x4e: {  	[bflag:$0x0] =	sbarrier.arrive $0xFFFF  }
0x4f: {  	[tilespmem:s11], [sflag:$0x2] =	stream.linear.gather [spmem:s6], $0x400, $0x38;
	[tilespmem:$0x16900] =	vst v63  }
0x50: {  	_ =	swait.ge [sflag:s12], $0x400  }
0x51: {  	[sflag:s12] =	ssyncset.done $0x0  }
0x52: {  	s31 =	sadd.s32 $0x0, s10;
	[sflag:s12] =	ssyncadd.s32 $0xFFFFFC00  }
0x53: {  	[hbm4b:s31+s3] =	stream.linear.scatter [tilespmem:s11], [sflag:$0x2], $0x400, $0x38;
	[tilespmem:$0x16900] =	vst v63  }
0x54: {  	_ =	swait.ge [sflag:s12], $0x400  }
0x55: {  	s18 =	simm.s32 $0x80;
	s19 =	smov.u32 s6;
	[sflag:s12] =	ssyncset.done $0x0  }
.LBB2_6:
0x56: {  	p0 =	sne.s32 s18, $0x2700;
	[sflag:s12] =	ssyncadd.s32 $0xFFFFFC00;
	s19 =	sadd.s32 $0x400, s19  }
0x57: {  	[tilespmem:s11], [sflag:$0x2] =	stream.linear.gather [spmem:s19], $0x400, $0x38;
	[tilespmem:$0x16900] =	vst v63  }
0x58: {  	s20 =	smov.u32 s18;
	s18 =	sadd.s32 $0x80, s18;
	_ =	swait.ge [sflag:s12], $0x400  }
.Ltmp2:
0x59: {  	[sflag:s12] =	ssyncset.done $0x0;
	(pc) =	sbr.rel @p0 .LBB2_6-.Ltmp2, $4  }
0x5a: {  	s20 =	sadd.s32 s20, s10;
	[sflag:s12] =	ssyncadd.s32 $0xFFFFFC00  }
0x5b: {  	[hbm4b:s20+s3] =	stream.linear.scatter [tilespmem:s11], [sflag:$0x2], $0x400, $0x38;
	[tilespmem:$0x16900] =	vst v63  }
0x5c: {  	_ =	swait.ge [sflag:s12], $0x400  }
0x5d: {  	[sflag:s12] =	ssyncset.done $0x0  }
0x5e: {  	s17 =	sadd.s32 $0x1, s17  }
0x5f: {  	p0 =	sne.s32 s17, s7  }
.Ltmp3:
0x60: {  	_ = 	snop;
	(pc) =	sbr.rel @p0 .LBB2_1-.Ltmp3, $2  }
0x61: {  	_ =	sdelay $0x2  }
0x62: {  	[sflag:s12] =	ssyncadd.s32 $0xFFFFFC00  }
0x63: {  	_ =	sfence.sel $0x180000  }
0x64: {  	[bflag:$0x0] =	sbarrier.arrive $0xFFFF  }
0x65: {  	p0 =	sne.s32 s0, $0x0;
	_ =	strace $0x9000004D  }
0x66: {  	s0 =	sadd.s32 @!p0 $0x100000, s1;
	[bflag:$0x2] =	sbarrier.arrive $0xFFFF  }
0x67: {  	[sflag:s0] =	ssyncadd.tile.s32 @!p0 $0x1;
	_ =	shalt  }
.Lfunc_end2:
_tile_overlayer_lowered:
.L_overlay_start_2:
0x68: {  	(tag) =	ssettag $0x2  }
0x69: {  	s0 =	rddreg [dreg:$0x0];
	s2 =	stileid.u32  }
0x6a: {  	s1 =	rddreg [dreg:$0x1];
	p0 =	sne.s32 s2, $0x0  }
0x6b: {  	s3 =	rddreg [dreg:$0x2];
	[bflag:$0x3] =	sbarrier.arrive $0xFFFF;
	s2 =	simm.s32 @!p0 $0x1C02  }
0x6c: {  	[timem:s3], [sflag:s2] =	dma.local @!p0 [hbm:s0], s1  }
0x6d: {  	s0 =	simm.s32 @!p0 $0x2  }
0x6e: {  	_ =	swait.ge @!p0 [sflag:s0], s1  }
0x6f: {  	s1 =	ssub.s32 @!p0 $0x0, s1;
	[sflag:s0] =	ssyncset.done @!p0 $0x0  }
0x70: {  	[sflag:s0] =	ssyncadd.s32 @!p0 s1  }
0x71: {  	[bflag:$0x3] =	sbarrier.arrive $0xFFFF  }
0x72: {  	_ =	shalt  }

// kernel: kernel.18.cloned.1.call-start
scs
__scs_entry_jumppad:
0x0: {  	(pc) =	sbr.rel $0x88, $3  }
0x1: {  	(tag) =	ssettag $0x0;
	lr =	simm.s32 $0x1  }
0x2: {  	[smem:$0x3F94] =	sst lr;
	_ =	strace $0xD0000000  }
0x3: {  	_ = 	snop  }
0x4: {  	_ = 	snop  }
0x5: {  	_ = 	snop  }
0x6: {  	_ = 	snop  }
0x7: {  	_ = 	snop  }
__scs_overlays_trampoline_lowered:
0x8: {  	[smem:$0x3FA3] =	sst s0  }
0x9: {  	[smem:$0x3FA4] =	sst s1  }
0xa: {  	[smem:$0x3FA5] =	sst s2  }
0xb: {  	[smem:$0x3FA6] =	sst s3  }
0xc: {  	[smem:$0x3FA7] =	sst s4  }
0xd: {  	[smem:$0x3FA8] =	sst s5  }
0xe: {  	[smem:$0x3FA9] =	sst s6  }
0xf: {  	[smem:$0x3FAA] =	sst s7  }
0x10: {  	[smem:$0x3FAB] =	sst s8  }
0x11: {  	[smem:$0x3FAC] =	sst s9;
	s0 =	simm.s32 @!p0 $0x0  }
0x12: {  	s1 =	sld [smem:$0x3F92];
	s0 =	simm.s32 @p0 $0x1  }
0x13: {  	[smem:$0x3FAD] =	sst s0;
	s0 =	simm.s32 @!p1 $0x0  }
0x14: {  	s2 =	sld [smem:$0x3F91];
	s0 =	simm.s32 @p1 $0x1  }
0x15: {  	[smem:$0x3FAE] =	sst s0;
	s0 =	simm.s32 @!p2 $0x0  }
0x16: {  	s3 =	sld [smem:$0x3FDB];
	s0 =	simm.s32 @p2 $0x1  }
0x17: {  	s4 =	simm.s32 $0x1BF5;
	[smem:$0x3FB0] =	sst s0  }
0x18: {  	s0 =	sld [smem:$0x3F93];
	_ =	swait.ge [sflag:s4], $0x0  }
0x19: {  	s7 =	sld [smem:$0x3F94]  }
0x1a: {  	s8 =	sadd.s32 $0xFFFFE003, lr  }
0x1b: {  	s9 =	sadd.s32 $0xFFFFFEF7, lr;
	s5 =	simm.s32 $0xFFFFFFFF;
	p2 =	slt.u32 s8, $0xFFFFF086  }
0x1c: {  	p1 =	slt.u32 s9, $0xF7A;
	s5 =	simm.s32 @!p2 $0x0  }
0x1d: {  	s5 =	simm.s32 @p1 $0x1;
	p0 =	seq.s32 s7, s2  }
0x1e: {  	s7 =	smul.u32 @!p0 $0xF7A, s2;
	p2 =	seq.s32 @!p0 s5, $0x0  }
0x1f: {  	s9 =	smul.u32 $0xF7A, s1;
	s8 =	simm.s32 @!p0 $0x1BF5;
	p2 =	por !p2, p0  }
0x20: {  	[sflag:s8] =	ssyncset.s32 @!p0 $0xFFFFF086;
	s6 =	sadd.s32 @!p0 s3, s7;
	s7 =	simm.s32 @!p0 $0x108  }
0x21: {  	s3 =	sadd.s32 s3, s9;
	s6 =	sadd.s32 @!p0 $0x88, s6;
	s7 =	simm.s32 @p2 $0x1082  }
0x22: {  	[simem:s7], [sflag:s8] =	dma.local @!p0 [hbm:s6], $0xF7A  }
0x23: {  	s9 =	sor.u32 $0xD0000000, s2;
	s6 =	simm.s32 $0x108;
	_ =	swait.ge @!p0 [sflag:s8], $0x0  }
0x24: {  	s3 =	sadd.s32 $0x88, s3;
	s6 =	simm.s32 @!p1 $0x1082;
	[sflag:s4] =	ssyncset.s32 $0xFFFFF086  }
0x25: {  	[simem:s6], [sflag:s4] =	dma.local [hbm:s3], $0xF7A  }
0x26: {  	[smem:$0x3F94] =	sst s1;
	(tag) =	ssettag s2;
	_ =	strace s9  }
0x27: {  	s1 =	sld [smem:$0x3FA4]  }
0x28: {  	s2 =	sld [smem:$0x3FA5]  }
0x29: {  	s4 =	sld [smem:$0x3FA7]  }
0x2a: {  	p0 =	seq.s32 s5, $0x0;
	s5 =	sld [smem:$0x3FA8]  }
0x2b: {  	s6 =	sld [smem:$0x3FA9]  }
0x2c: {  	s7 =	sld [smem:$0x3FAA]  }
0x2d: {  	s3 =	simm.s32 $0x108;
	s8 =	sld [smem:$0x3FAB]  }
0x2e: {  	s3 =	simm.s32 @!p0 $0x1082;
	s9 =	sld [smem:$0x3FAC]  }
0x2f: {  	lr =	sadd.s32 s0, s3;
	s0 =	sld [smem:$0x3FA3]  }
0x30: {  	s3 =	sld [smem:$0x3FA6]  }
0x31: {  	[smem:$0x3FAF] =	sst s10  }
0x32: {  	s10 =	sld [smem:$0x3FAD];
	_ =	sdelay $0x3  }
0x33: {  	p0 =	seq.s32 s10, $0x1;
	s10 =	sld [smem:$0x3FAF];
	_ =	sdelay $0x3  }
0x34: {  	[smem:$0x3FAF] =	sst s10  }
0x35: {  	s10 =	sld [smem:$0x3FAE];
	_ =	sdelay $0x3  }
0x36: {  	p1 =	seq.s32 s10, $0x1;
	s10 =	sld [smem:$0x3FAF];
	_ =	sdelay $0x3  }
0x37: {  	[smem:$0x3FAF] =	sst s10  }
0x38: {  	s10 =	sld [smem:$0x3FB0]  }
0x39: {  	_ = 	snop;
	(pc) =	sbr.ind lr, $3  }
0x3a: {  	_ = 	snop  }
0x3b: {  	_ = 	snop  }
0x3c: {  	p2 =	seq.s32 s10, $0x1;
	s10 =	sld [smem:$0x3FAF]  }
0x3d: {  	_ =	shalt  }
0x3e: {  	_ =	shalt  }
0x3f: {  	_ =	shalt  }
0x40: {  	_ =	shalt  }
0x41: {  	_ =	shalt  }
0x42: {  	_ =	shalt  }
0x43: {  	_ =	shalt  }
0x44: {  	_ =	shalt  }
0x45: {  	_ =	shalt  }
0x46: {  	_ =	shalt  }
0x47: {  	_ =	shalt  }
0x48: {  	_ =	shalt  }
0x49: {  	_ =	shalt  }
0x4a: {  	_ =	shalt  }
0x4b: {  	_ =	shalt  }
0x4c: {  	_ =	shalt  }
0x4d: {  	_ =	shalt  }
0x4e: {  	_ =	shalt  }
0x4f: {  	_ =	shalt  }
0x50: {  	_ =	shalt  }
0x51: {  	_ =	shalt  }
0x52: {  	_ =	shalt  }
0x53: {  	_ =	shalt  }
0x54: {  	_ =	shalt  }
0x55: {  	_ =	shalt  }
0x56: {  	_ =	shalt  }
0x57: {  	_ =	shalt  }
0x58: {  	_ =	shalt  }
0x59: {  	_ =	shalt  }
0x5a: {  	_ =	shalt  }
0x5b: {  	_ =	shalt  }
0x5c: {  	_ =	shalt  }
0x5d: {  	_ =	shalt  }
0x5e: {  	_ =	shalt  }
0x5f: {  	_ =	shalt  }
0x60: {  	_ =	shalt  }
0x61: {  	_ =	shalt  }
0x62: {  	_ =	shalt  }
0x63: {  	_ =	shalt  }
0x64: {  	_ =	shalt  }
0x65: {  	_ =	shalt  }
0x66: {  	_ =	shalt  }
0x67: {  	_ =	shalt  }
0x68: {  	_ =	shalt  }
0x69: {  	_ =	shalt  }
0x6a: {  	_ =	shalt  }
0x6b: {  	_ =	shalt  }
0x6c: {  	_ =	shalt  }
0x6d: {  	_ =	shalt  }
0x6e: {  	_ =	shalt  }
0x6f: {  	_ =	shalt  }
0x70: {  	_ =	shalt  }
0x71: {  	_ =	shalt  }
0x72: {  	_ =	shalt  }
0x73: {  	_ =	shalt  }
0x74: {  	_ =	shalt  }
0x75: {  	_ =	shalt  }
0x76: {  	_ =	shalt  }
0x77: {  	_ =	shalt  }
0x78: {  	_ =	shalt  }
0x79: {  	_ =	shalt  }
0x7a: {  	_ =	shalt  }
0x7b: {  	_ =	shalt  }
0x7c: {  	_ =	shalt  }
0x7d: {  	_ =	shalt  }
0x7e: {  	_ =	shalt  }
0x7f: {  	_ =	shalt  }
0x80: {  	_ =	shalt  }
0x81: {  	_ =	shalt  }
0x82: {  	_ =	shalt  }
0x83: {  	_ =	shalt  }
0x84: {  	_ =	shalt  }
0x85: {  	_ =	shalt  }
0x86: {  	_ =	shalt  }
0x87: {  	_ =	shalt  }
.Lfunc_end0:
.L_simem_size_0:
called_computation.3_lowered:
.L_overlay_start_0:
0x88: {  	s2 =	sld [smem:$0x3FD9]  }
0x89: {  	s3 =	sld [smem:$0x3FFE];
	_ =	sdelay $0x1  }
0x8a: {  	s1 =	srdreg.scid  }
0x8b: {  	s0 =	sand.u32 $0x1, s1  }
0x8c: {  	s17 =	sshll.u32 s0, $0xA;
	s2 =	sadd.s32 s3, s2  }
0x8d: {  	s2 =	sadd.s32 s2, s17  }
0x8e: {  	[smem:$0x3FBB] =	sst s2  }
0x8f: {  	_ = 	snop  }
0x90: {  	s2 =	sld [smem:$0x3FBE]  }
0x91: {  	s18 =	sld [smem:$0x3FD0];
	(tm) =	ssettm $0x1  }
0x92: {  	s4 =	sld [smem:$0x3FFB];
	_ =	sdelay $0x3  }
0x93: {  	_ =	strace s4  }
0x94: {  	s4 =	sld [smem:$0x3FFC];
	_ =	sdelay $0x3  }
0x95: {  	_ =	strace s4  }
0x96: {  	s4 =	sld [smem:$0x3FFD];
	_ =	sdelay $0x3  }
0x97: {  	_ =	strace s4  }
0x98: {  	_ =	strace $0x8FFFFFFF  }
0x99: {  	s19 =	sld [smem:$0x3FDB];
	_ =	sdelay $0x1  }
0x9a: {  	s5 =	simm.s32 $_scs_section_size  }
0x9b: {  	s6 =	simm.s32 $_size__tile_overlayer_lowered;
	s7 =	simm.s32 $_tile_overlayer_lowered  }
0x9c: {  	s22 =	simm.s32 $0x1BFF;
	s21 =	sshll.u32 s7, $0x1;
	s4 =	sadd.s32 s5, s19  }
0x9d: {  	s8 =	simm.s32 $0x0;
	s20 =	sshll.u32 s6, $0x1;
	s6 =	sadd.s32 s21, s4  }
0x9e: {  	[timem:s8], [sflag:s22] =	dma.local [hbm:s6], s20  }
0x9f: {  	_ =	swait.ge [sflag:s22], s20  }
0xa0: {  	s5 =	ssub.s32 $0x0, s20;
	[sflag:s22] =	ssyncset.done $0x0  }
0xa1: {  	[sflag:s22] =	ssyncadd.s32 s5;
	_ =	sdelay $0x1  }
0xa2: {  	s23 =	simm.s32 $0x1B8B  }
0xa3: {  	_ =	swait.ge [sflag:s23], $0x1  }
0xa4: {  	[sflag:s23] =	ssyncset.done $0x0  }
0xa5: {  	s25 =	simm.s32 $0x1B8E;
	s24 =	sld [smem:$0x3FFE];
	[sflag:s23] =	ssyncadd.s32 $0xFFFFFFFF  }
0xa6: {  	s26 =	simm.s32 $execute0_lowered;
	[smem:$0x3FD2] =	sst s25  }
0xa7: {  	s6 =	sshll.u32 s26, $0x1;
	_ =	strace $0x8000004F;
	[dreg:$0x1] =	wrdreg $0xFFFFFFFF  }
0xa8: {  	s28 =	simm.s32 $_size_execute0_lowered;
	s4 =	sadd.s32 s4, s6;
	[dreg:$0x0] =	wrdreg $0x0  }
0xa9: {  	s6 =	sshll.u32 s28, $0x1;
	[dreg:$0x2] =	wrdreg s4  }
0xaa: {  	[dreg:$0x3] =	wrdreg s6  }
0xab: {  	[dreg:$0x4] =	wrdreg $0xC0  }
0xac: {  	_ =	task [dreg:s8], $0x5FFFF  }
0xad: {  	[dreg:$0x1] =	wrdreg $0xFFFFFFFF  }
0xae: {  	[dreg:$0x0] =	wrdreg $0x60  }
0xaf: {  	[dreg:$0x2] =	wrdreg s24  }
0xb0: {  	[dreg:$0x3] =	wrdreg s2  }
0xb1: {  	[dreg:$0x4] =	wrdreg s18  }
0xb2: {  	[dreg:$0x5] =	wrdreg $0x9  }
0xb3: {  	_ =	task.clear_ibuf [dreg:s8], $0x6FFFF;
	_ =	strace $0x9000004F  }
0xb4: {  	s29 =	simm.s32 $0x9;
	_ =	strace $0x80000051  }
0xb5: {  	_ =	swait.ge [sflag:s29], $0x1  }
0xb6: {  	[sflag:s29] =	ssyncadd.s32 $0xFFFFFFFF  }
0xb7: {  	_ =	strace $0x90000051  }
0xb8: {  	_ =	sfence  }
0xb9: {  	s30 =	sld [smem:$0x0];
	_ =	sdelay $0x2  }
0xba: {  	s31 =	sshll.u32 s1, $0xD;
	s1 =	sshrl.u32 s1, $0x2  }
0xbb: {  	s3 =	sand.u32 $0x4000, s31;
	s1 =	sadd.s32 s1, s30  }
0xbc: {  	s0 =	sor.u32 s3, s0;
	s1 =	sshll.u32 s1, $0x11  }
0xbd: {  	s0 =	sor.u32 s1, s0  }
0xbe: {  	s0 =	sadd.s32 $0x8F2B, s0  }
0xbf: {  	[sflag:s0] =	ssyncadd.remote.s32 $0x1  }
0xc0: {  	_ =	sfence.sel $0xFFFF  }
0xc1: {  	[dreg:$0x0] =	wrdreg $0xFFFFFFFF;
	(pc) =	sbr.abs _section_cstart, $3  }
0xc2: {  	[dreg:$0x1] =	wrdreg $0xFFFFFFFF  }
0xc3: {  	_ =	task.clear_ibuf [dreg:s8], $0x2FFFF;
	_ =	strace $0x9FFFFFFF  }
0xc4: {  	(tm) =	ssettm $0x7FFFFFFF  }
0xc5: {  	_ =	shalt  }
tec
execute0_lowered:
.L_overlay_start_1:
0x0: {  	(tag) =	ssettag $0x1  }
0x1: {  	s9 =	rddreg [dreg:$0x0]  }
0x2: {  	s1 =	rddreg [dreg:$0x1]  }
0x3: {  	s2 =	rddreg [dreg:$0x2]  }
0x4: {  	s0 =	rddreg [dreg:$0x3];
	s3 =	simm.s32 $0x0  }
0x5: {  	s4 =	srdreg.scid;
	s14 =	simm.s32 $0x7980;
	s15 =	simm.s32 $0x80  }
0x6: {  	s16 =	simm.s32 $0x50;
	s17 =	simm.s32 $0x100;
	s18 =	simm.s32 $0x2900  }
0x7: {  	s19 =	simm.s32 $0x1;
	s20 =	simm.s32 $0x5100;
	s21 =	simm.s32 $0x0  }
0x8: {  	[smem:$0x7FF] =	sst s3;
	s5 =	sadd.s32 $0x2A00, s9;
	s6 =	sadd.s32 $0x29C00, s9  }
0x9: {  	s10 =	sand.u32 $0x1, s4;
	s7 =	sadd.s32 $0xDAE00, s9;
	s4 =	stileid.u32  }
0xa: {  	s8 =	sadd.s32 $0xD1000, s9;
	s9 =	sadd.s32 $0xE4C00, s9;
	s11 =	ssub.s32 $0x2, s10  }
0xb: {  	_ =	strace $0x80000050;
	s13 =	sshll.u32 s4, $0x1;
	s12 =	sshrl.u32 s11, $0x1  }
0xc: {  	s10 =	sor.u32 s10, s13;
	s13 =	simm.s32 $0x2;
	s11 =	ssub.s32 s11, s12  }
0xd: {  	s10 =	smul.u32 $0x2710, s10;
	s12 =	simm.s32 $0x7900;
	s11 =	smax.u32 s11, $0x1  }
.LBB2_1:
0xe: {  	[tilespmem:s12], [sflag:$0x2] =	stream.linear.gather [hbm4b:s1+s3], $0x80, $0x38;
	[tilespmem:$0x7A00] =	vst v63  }
0xf: {  	_ =	swait.ge [sflag:s13], $0x80  }
0x10: {  	[sflag:s13] =	ssyncset.done $0x0  }
0x11: {  	[sflag:s13] =	ssyncadd.s32 $0xFFFFFF80  }
0x12: {  	[tilespmem:s14], [sflag:$0x2] =	stream.linear.gather [hbm4b:s2+s3], $0x80, $0x38;
	[tilespmem:$0x7A00] =	vst v63  }
0x13: {  	_ =	swait.ge [sflag:s13], $0x80  }
0x14: {  	[sflag:s13] =	ssyncset.done $0x0  }
0x15: {  	[sflag:s13] =	ssyncadd.s32 $0xFFFFFF80  }
0x16: {  	v0 =	vld [tilespmem:$0x7900]  }
0x17: {  	v1 =	vld [tilespmem:$0x7910]  }
0x18: {  	v2 =	vld [tilespmem:$0x7920]  }
0x19: {  	v3 =	vld [tilespmem:$0x7930]  }
0x1a: {  	v5 =	vld [tilespmem:$0x7950]  }
0x1b: {  	v8 =	vld [tilespmem:$0x7980]  }
0x1c: {  	v6 =	vld [tilespmem:$0x7960]  }
0x1d: {  	v4 =	vld [tilespmem:$0x7940]  }
0x1e: {  	s22 =	simm.s32 $0x0;
	v7 =	vld [tilespmem:$0x7970]  }
.LBB2_2:
0x1f: {  	s23 =	smul.u32 $0x50, s22;
	_ =	sdelay $0x1  }
0x20: {  	s23 =	sadd.s32 s10, s23  }
0x21: {  	s24 =	sshrl.u32 s23, $0x3  }
0x22: {  	s26 =	simm.s32 $0x0;
	s25 =	sadd.s32 s7, s24  }
0x23: {  	[tilespmem:s26], [sflag:$0x2] =	stream.linear.gather [hbm4b:s25+s26], $0x50, $0x38;
	[tilespmem:$0x7A00] =	vst v63  }
0x24: {  	_ =	swait.ge [sflag:s13], $0x50  }
0x25: {  	[sflag:s13] =	ssyncset.done $0x0  }
0x26: {  	s24 =	sadd.s32 s8, s24;
	[sflag:s13] =	ssyncadd.s32 $0xFFFFFFB0  }
0x27: {  	[tilespmem:s15], [sflag:$0x2] =	stream.linear.gather [hbm4b:s24+s26], $0x50, $0x38;
	[tilespmem:$0x7A00] =	vst v63  }
0x28: {  	_ =	swait.ge [sflag:s13], $0x50  }
0x29: {  	[sflag:s13] =	ssyncset.done $0x0  }
0x2a: {  	[sflag:s13] =	ssyncadd.s32 $0xFFFFFFB0  }
0x2b: {  	[tilespmem:s17], [sflag:$0x1] =	stream.indirect.gather [hbm4b:s5+s16], $0x80, s26, s16, $0xb8;
	[tilespmem:$0x7A00] =	vst v63  }
0x2c: {  	_ = 	snop  }
0x2d: {  	[tilespmem:s18], [sflag:$0x1] =	stream.indirect.gather [hbm4b:s6+s16], $0x80, s15, s16, $0xb8;
	[tilespmem:$0x7A00] =	vst v63  }
0x2e: {  	_ =	swait.ge [sflag:s19], $0x2800  }
0x2f: {  	[sflag:s19] =	ssyncset.done $0x0  }
0x30: {  	[sflag:s19] =	ssyncadd.s32 $0xFFFFD800  }
0x31: {  	_ =	swait.ge [sflag:s19], $0x2800  }
0x32: {  	[sflag:s19] =	ssyncset.done $0x0  }
0x33: {  	s24 =	simm.s32 $0x0;
	[sflag:s19] =	ssyncadd.s32 $0xFFFFD800  }
0x34: {  	v9 =	vld [tilespmem:s24+$0x100]  }
0x35: {  	v10 =	vld [tilespmem:s24+$0x2900]  }
0x36: {  	v11 =	vld [tilespmem:s24+$0x110]  }
0x37: {  	v12 =	vld [tilespmem:s24+$0x2910]  }
0x38: {  	v13 =	vld [tilespmem:s24+$0x120]  }
0x39: {  	v14 =	vld [tilespmem:s24+$0x2920]  }
0x3a: {  	v15 =	vld [tilespmem:s24+$0x130]  }
0x3b: {  	v16 =	vld [tilespmem:s24+$0x2930]  }
0x3c: {  	v17 =	vld [tilespmem:s24+$0x2940];
	v9 =	vadd.f32 v10, v9;
	v10 =	vadd.f32 v12, v11  }
0x3d: {  	v12 =	vld [tilespmem:s24+$0x140]  }
0x3e: {  	v18 =	vld [tilespmem:s24+$0x2950];
	v11 =	vadd.f32 v14, v13;
	v9 =	vmax.f32 v9, v8;
	v10 =	vmax.f32 v10, v8  }
0x3f: {  	v14 =	vld [tilespmem:s24+$0x150];
	v9 =	vmul.f32 v9, v0;
	v10 =	vmul.f32 v10, v1  }
0x40: {  	v19 =	vld [tilespmem:s24+$0x2960];
	v13 =	vadd.f32 v16, v15;
	v11 =	vmax.f32 v11, v8  }
0x41: {  	v16 =	vld [tilespmem:s24+$0x160];
	v9 =	vadd.f32 v10, v9;
	v10 =	vmul.f32 v11, v2  }
0x42: {  	v13 =	vmax.f32 v13, v8;
	v11 =	vld [tilespmem:s24+$0x170];
	v12 =	vadd.f32 v17, v12  }
0x43: {  	s25 =	simm.s32 $0x80;
	v17 =	vmul.f32 v13, v3;
	v13 =	vld [tilespmem:s24+$0x2970];
	v15 =	vadd.f32 v10, v9  }
0x44: {  	v18 =	vadd.f32 v18, v14;
	v9 =	vld [tilespmem:s25+$0x100];
	v12 =	vmax.f32 v12, v8  }
0x45: {  	v10 =	vld [tilespmem:s25+$0x2900];
	v14 =	vadd.f32 v17, v15;
	v15 =	vmul.f32 v12, v4  }
0x46: {  	s26 =	simm.s32 $0x400;
	v16 =	vadd.f32 v19, v16;
	v12 =	vld [tilespmem:s25+$0x110];
	v17 =	vmax.f32 v18, v8  }
.LBB2_3:
0x47: {  	p0 =	sne.s32 s26, $0x9E00;
	v18 =	vld [tilespmem:s25+$0x2910];
	v14 =	vadd.f32 v15, v14;
	v15 =	vmul.f32 v17, v5  }
0x48: {  	v17 =	vld [tilespmem:s25+$0x120];
	v16 =	vmax.f32 v16, v8;
	v11 =	vadd.f32 v13, v11  }
0x49: {  	v13 =	vld [tilespmem:s25+$0x2920];
	v14 =	vadd.f32 v15, v14;
	v15 =	vmul.f32 v16, v6  }
0x4a: {  	v16 =	vld [tilespmem:s25+$0x130];
	v11 =	vmax.f32 v11, v8  }
0x4b: {  	v19 =	vld [tilespmem:s25+$0x2930];
	v14 =	vadd.f32 v15, v14;
	v11 =	vmul.f32 v11, v7  }
0x4c: {  	v9 =	vadd.f32 v10, v9;
	v10 =	vadd.f32 v18, v12;
	v12 =	vld [tilespmem:s25+$0x140]  }
0x4d: {  	v15 =	vld [tilespmem:s25+$0x2940];
	v11 =	vadd.f32 v11, v14  }
0x4e: {  	v9 =	vmax.f32 v9, v8;
	v10 =	vmax.f32 v10, v8;
	v13 =	vadd.f32 v13, v17;
	v14 =	vld [tilespmem:s25+$0x150]  }
0x4f: {  	v9 =	vmul.f32 v9, v0;
	v10 =	vmul.f32 v10, v1;
	v17 =	vld [tilespmem:s25+$0x2950];
	[tilespmem:s24+$0x5100] =	vst v11;
	s24 =	smov.u32 s25  }
0x50: {  	v11 =	vmax.f32 v13, v8;
	v13 =	vadd.f32 v19, v16;
	v16 =	vld [tilespmem:s24+$0x160]  }
0x51: {  	v9 =	vadd.f32 v10, v9;
	v10 =	vmul.f32 v11, v2;
	v18 =	vld [tilespmem:s24+$0x2960]  }
.Ltmp0:
0x52: {  	v13 =	vmax.f32 v13, v8;
	v12 =	vadd.f32 v15, v12;
	v11 =	vld [tilespmem:s24+$0x170];
	(pc) =	sbr.rel @p0 .LBB2_3-.Ltmp0, $4  }
0x53: {  	s25 =	sshra.s32 s26, $0x2;
	v15 =	vadd.f32 v10, v9;
	v19 =	vmul.f32 v13, v3;
	v13 =	vld [tilespmem:s24+$0x2970]  }
0x54: {  	v9 =	vld [tilespmem:s25+$0x100];
	v12 =	vmax.f32 v12, v8;
	v17 =	vadd.f32 v17, v14  }
0x55: {  	v10 =	vld [tilespmem:s25+$0x2900];
	v14 =	vadd.f32 v19, v15;
	v15 =	vmul.f32 v12, v4  }
0x56: {  	s26 =	sadd.s32 $0x200, s26;
	v12 =	vld [tilespmem:s25+$0x110];
	v17 =	vmax.f32 v17, v8;
	v16 =	vadd.f32 v18, v16  }
0x57: {  	v18 =	vld [tilespmem:s25+$0x2910];
	v14 =	vadd.f32 v15, v14;
	v49 =	vmul.f32 v17, v5  }
0x58: {  	v50 =	vld [tilespmem:s25+$0x120];
	v16 =	vmax.f32 v16, v8;
	v11 =	vadd.f32 v13, v11  }
0x59: {  	v51 =	vld [tilespmem:s25+$0x2920];
	v14 =	vadd.f32 v49, v14;
	v52 =	vmul.f32 v16, v6  }
0x5a: {  	v53 =	vld [tilespmem:s25+$0x130];
	v11 =	vmax.f32 v11, v8  }
0x5b: {  	v19 =	vld [tilespmem:s25+$0x2930];
	v14 =	vadd.f32 v52, v14;
	v11 =	vmul.f32 v11, v7  }
0x5c: {  	v54 =	vld [tilespmem:s25+$0x140];
	v9 =	vadd.f32 v10, v9;
	v10 =	vadd.f32 v18, v12  }
0x5d: {  	v55 =	vld [tilespmem:s25+$0x2940];
	v11 =	vadd.f32 v11, v14  }
0x5e: {  	v56 =	vld [tilespmem:s25+$0x150];
	v9 =	vmax.f32 v9, v8;
	v13 =	vadd.f32 v51, v50;
	v10 =	vmax.f32 v10, v8  }
0x5f: {  	v57 =	vld [tilespmem:s25+$0x2950];
	v9 =	vmul.f32 v9, v0;
	v10 =	vmul.f32 v10, v1;
	[tilespmem:s24+$0x5100] =	vst v11  }
0x60: {  	v58 =	vadd.f32 v19, v53;
	v11 =	vmax.f32 v13, v8;
	v59 =	vld [tilespmem:s25+$0x160]  }
0x61: {  	v9 =	vadd.f32 v10, v9;
	v10 =	vmul.f32 v11, v2;
	v11 =	vld [tilespmem:s25+$0x2960]  }
0x62: {  	v12 =	vadd.f32 v55, v54;
	v13 =	vmax.f32 v58, v8;
	v60 =	vld [tilespmem:s25+$0x170]  }
0x63: {  	v61 =	vld [tilespmem:s25+$0x2970];
	v9 =	vadd.f32 v10, v9;
	v10 =	vmul.f32 v13, v3  }
0x64: {  	v14 =	vadd.f32 v57, v56;
	v12 =	vmax.f32 v12, v8  }
0x65: {  	v9 =	vadd.f32 v10, v9;
	v10 =	vmul.f32 v12, v4  }
0x66: {  	v62 =	vmax.f32 v14, v8;
	v11 =	vadd.f32 v11, v59  }
0x67: {  	v9 =	vadd.f32 v10, v9;
	v10 =	vmul.f32 v62, v5  }
0x68: {  	v63 =	vadd.f32 v61, v60;
	v11 =	vmax.f32 v11, v8  }
0x69: {  	v9 =	vadd.f32 v10, v9;
	v10 =	vmul.f32 v11, v6  }
0x6a: {  	v11 =	vmax.f32 v63, v8  }
0x6b: {  	v9 =	vadd.f32 v10, v9;
	v10 =	vmul.f32 v11, v7;
	_ =	sdelay $0x1  }
0x6c: {  	s22 =	sadd.s32 $0x1, s22;
	v9 =	vadd.f32 v10, v9  }
0x6d: {  	s23 =	sshll.u32 s23, $0x4;
	p0 =	sne.s32 s22, $0x7D  }
.Ltmp1:
0x6e: {  	s23 =	sadd.s32 s9, s23;
	[tilespmem:s25+$0x5100] =	vst v9;
	(pc) =	sbr.rel @p0 .LBB2_2-.Ltmp1, $4  }
0x6f: {  	[hbm4b:s23+s3] =	stream.linear.scatter [tilespmem:s20], [sflag:$0x2], $0x2800, $0x38;
	[tilespmem:$0x7A00] =	vst v63  }
0x70: {  	_ =	swait.ge [sflag:s13], $0x2800  }
0x71: {  	[sflag:s13] =	ssyncset.done $0x0  }
0x72: {  	[sflag:s13] =	ssyncadd.s32 $0xFFFFD800  }
0x73: {  	s21 =	sadd.s32 $0x1, s21  }
0x74: {  	p0 =	sne.s32 s21, s11  }
.Ltmp2:
0x75: {  	_ = 	snop;
	(pc) =	sbr.rel @p0 .LBB2_1-.Ltmp2, $1  }
0x76: {  	_ =	sdelay $0x3  }
0x77: {  	_ =	sfence.sel $0x180000  }
0x78: {  	[bflag:$0x0] =	sbarrier.arrive $0xFFFF  }
0x79: {  	p0 =	sne.s32 s4, $0x0;
	_ =	strace $0x90000050  }
0x7a: {  	s0 =	sadd.s32 @!p0 $0x100000, s0;
	[bflag:$0x2] =	sbarrier.arrive $0xFFFF  }
0x7b: {  	[sflag:s0] =	ssyncadd.tile.s32 @!p0 $0x1;
	_ =	shalt  }
.Lfunc_end2:
_tile_overlayer_lowered:
.L_overlay_start_2:
0x7c: {  	(tag) =	ssettag $0x2  }
0x7d: {  	s0 =	rddreg [dreg:$0x0];
	s2 =	stileid.u32  }
0x7e: {  	s1 =	rddreg [dreg:$0x1];
	p0 =	sne.s32 s2, $0x0  }
0x7f: {  	s3 =	rddreg [dreg:$0x2];
	[bflag:$0x3] =	sbarrier.arrive $0xFFFF;
	s2 =	simm.s32 @!p0 $0x1C02  }
0x80: {  	[timem:s3], [sflag:s2] =	dma.local @!p0 [hbm:s0], s1  }
0x81: {  	s0 =	simm.s32 @!p0 $0x2  }
0x82: {  	_ =	swait.ge @!p0 [sflag:s0], s1  }
0x83: {  	s1 =	ssub.s32 @!p0 $0x0, s1;
	[sflag:s0] =	ssyncset.done @!p0 $0x0  }
0x84: {  	[sflag:s0] =	ssyncadd.s32 @!p0 s1  }
0x85: {  	[bflag:$0x3] =	sbarrier.arrive $0xFFFF  }
0x86: {  	_ =	shalt  }

// kernel: kernel.9.cloned.1.call-start
scs
__scs_entry_jumppad:
0x0: {  	(pc) =	sbr.rel $0x88, $3  }
0x1: {  	(tag) =	ssettag $0x0;
	lr =	simm.s32 $0x1  }
0x2: {  	[smem:$0x3F94] =	sst lr;
	_ =	strace $0xD0000000  }
0x3: {  	_ = 	snop  }
0x4: {  	_ = 	snop  }
0x5: {  	_ = 	snop  }
0x6: {  	_ = 	snop  }
0x7: {  	_ = 	snop  }
__scs_overlays_trampoline_lowered:
0x8: {  	[smem:$0x3FA3] =	sst s0  }
0x9: {  	[smem:$0x3FA4] =	sst s1  }
0xa: {  	[smem:$0x3FA5] =	sst s2  }
0xb: {  	[smem:$0x3FA6] =	sst s3  }
0xc: {  	[smem:$0x3FA7] =	sst s4  }
0xd: {  	[smem:$0x3FA8] =	sst s5  }
0xe: {  	[smem:$0x3FA9] =	sst s6  }
0xf: {  	[smem:$0x3FAA] =	sst s7  }
0x10: {  	[smem:$0x3FAB] =	sst s8  }
0x11: {  	[smem:$0x3FAC] =	sst s9;
	s0 =	simm.s32 @!p0 $0x0  }
0x12: {  	s1 =	sld [smem:$0x3F92];
	s0 =	simm.s32 @p0 $0x1  }
0x13: {  	[smem:$0x3FAD] =	sst s0;
	s0 =	simm.s32 @!p1 $0x0  }
0x14: {  	s2 =	sld [smem:$0x3F91];
	s0 =	simm.s32 @p1 $0x1  }
0x15: {  	[smem:$0x3FAE] =	sst s0;
	s0 =	simm.s32 @!p2 $0x0  }
0x16: {  	s3 =	sld [smem:$0x3FDB];
	s0 =	simm.s32 @p2 $0x1  }
0x17: {  	s4 =	simm.s32 $0x1BF5;
	[smem:$0x3FB0] =	sst s0  }
0x18: {  	s0 =	sld [smem:$0x3F93];
	_ =	swait.ge [sflag:s4], $0x0  }
0x19: {  	s7 =	sld [smem:$0x3F94]  }
0x1a: {  	s8 =	sadd.s32 $0xFFFFE003, lr  }
0x1b: {  	s9 =	sadd.s32 $0xFFFFFEF7, lr;
	s5 =	simm.s32 $0xFFFFFFFF;
	p2 =	slt.u32 s8, $0xFFFFF086  }
0x1c: {  	p1 =	slt.u32 s9, $0xF7A;
	s5 =	simm.s32 @!p2 $0x0  }
0x1d: {  	s5 =	simm.s32 @p1 $0x1;
	p0 =	seq.s32 s7, s2  }
0x1e: {  	s7 =	smul.u32 @!p0 $0xF7A, s2;
	p2 =	seq.s32 @!p0 s5, $0x0  }
0x1f: {  	s9 =	smul.u32 $0xF7A, s1;
	s8 =	simm.s32 @!p0 $0x1BF5;
	p2 =	por !p2, p0  }
0x20: {  	[sflag:s8] =	ssyncset.s32 @!p0 $0xFFFFF086;
	s6 =	sadd.s32 @!p0 s3, s7;
	s7 =	simm.s32 @!p0 $0x108  }
0x21: {  	s3 =	sadd.s32 s3, s9;
	s6 =	sadd.s32 @!p0 $0x88, s6;
	s7 =	simm.s32 @p2 $0x1082  }
0x22: {  	[simem:s7], [sflag:s8] =	dma.local @!p0 [hbm:s6], $0xF7A  }
0x23: {  	s9 =	sor.u32 $0xD0000000, s2;
	s6 =	simm.s32 $0x108;
	_ =	swait.ge @!p0 [sflag:s8], $0x0  }
0x24: {  	s3 =	sadd.s32 $0x88, s3;
	s6 =	simm.s32 @!p1 $0x1082;
	[sflag:s4] =	ssyncset.s32 $0xFFFFF086  }
0x25: {  	[simem:s6], [sflag:s4] =	dma.local [hbm:s3], $0xF7A  }
0x26: {  	[smem:$0x3F94] =	sst s1;
	(tag) =	ssettag s2;
	_ =	strace s9  }
0x27: {  	s1 =	sld [smem:$0x3FA4]  }
0x28: {  	s2 =	sld [smem:$0x3FA5]  }
0x29: {  	s4 =	sld [smem:$0x3FA7]  }
0x2a: {  	p0 =	seq.s32 s5, $0x0;
	s5 =	sld [smem:$0x3FA8]  }
0x2b: {  	s6 =	sld [smem:$0x3FA9]  }
0x2c: {  	s7 =	sld [smem:$0x3FAA]  }
0x2d: {  	s3 =	simm.s32 $0x108;
	s8 =	sld [smem:$0x3FAB]  }
0x2e: {  	s3 =	simm.s32 @!p0 $0x1082;
	s9 =	sld [smem:$0x3FAC]  }
0x2f: {  	lr =	sadd.s32 s0, s3;
	s0 =	sld [smem:$0x3FA3]  }
0x30: {  	s3 =	sld [smem:$0x3FA6]  }
0x31: {  	[smem:$0x3FAF] =	sst s10  }
0x32: {  	s10 =	sld [smem:$0x3FAD];
	_ =	sdelay $0x3  }
0x33: {  	p0 =	seq.s32 s10, $0x1;
	s10 =	sld [smem:$0x3FAF];
	_ =	sdelay $0x3  }
0x34: {  	[smem:$0x3FAF] =	sst s10  }
0x35: {  	s10 =	sld [smem:$0x3FAE];
	_ =	sdelay $0x3  }
0x36: {  	p1 =	seq.s32 s10, $0x1;
	s10 =	sld [smem:$0x3FAF];
	_ =	sdelay $0x3  }
0x37: {  	[smem:$0x3FAF] =	sst s10  }
0x38: {  	s10 =	sld [smem:$0x3FB0]  }
0x39: {  	_ = 	snop;
	(pc) =	sbr.ind lr, $3  }
0x3a: {  	_ = 	snop  }
0x3b: {  	_ = 	snop  }
0x3c: {  	p2 =	seq.s32 s10, $0x1;
	s10 =	sld [smem:$0x3FAF]  }
0x3d: {  	_ =	shalt  }
0x3e: {  	_ =	shalt  }
0x3f: {  	_ =	shalt  }
0x40: {  	_ =	shalt  }
0x41: {  	_ =	shalt  }
0x42: {  	_ =	shalt  }
0x43: {  	_ =	shalt  }
0x44: {  	_ =	shalt  }
0x45: {  	_ =	shalt  }
0x46: {  	_ =	shalt  }
0x47: {  	_ =	shalt  }
0x48: {  	_ =	shalt  }
0x49: {  	_ =	shalt  }
0x4a: {  	_ =	shalt  }
0x4b: {  	_ =	shalt  }
0x4c: {  	_ =	shalt  }
0x4d: {  	_ =	shalt  }
0x4e: {  	_ =	shalt  }
0x4f: {  	_ =	shalt  }
0x50: {  	_ =	shalt  }
0x51: {  	_ =	shalt  }
0x52: {  	_ =	shalt  }
0x53: {  	_ =	shalt  }
0x54: {  	_ =	shalt  }
0x55: {  	_ =	shalt  }
0x56: {  	_ =	shalt  }
0x57: {  	_ =	shalt  }
0x58: {  	_ =	shalt  }
0x59: {  	_ =	shalt  }
0x5a: {  	_ =	shalt  }
0x5b: {  	_ =	shalt  }
0x5c: {  	_ =	shalt  }
0x5d: {  	_ =	shalt  }
0x5e: {  	_ =	shalt  }
0x5f: {  	_ =	shalt  }
0x60: {  	_ =	shalt  }
0x61: {  	_ =	shalt  }
0x62: {  	_ =	shalt  }
0x63: {  	_ =	shalt  }
0x64: {  	_ =	shalt  }
0x65: {  	_ =	shalt  }
0x66: {  	_ =	shalt  }
0x67: {  	_ =	shalt  }
0x68: {  	_ =	shalt  }
0x69: {  	_ =	shalt  }
0x6a: {  	_ =	shalt  }
0x6b: {  	_ =	shalt  }
0x6c: {  	_ =	shalt  }
0x6d: {  	_ =	shalt  }
0x6e: {  	_ =	shalt  }
0x6f: {  	_ =	shalt  }
0x70: {  	_ =	shalt  }
0x71: {  	_ =	shalt  }
0x72: {  	_ =	shalt  }
0x73: {  	_ =	shalt  }
0x74: {  	_ =	shalt  }
0x75: {  	_ =	shalt  }
0x76: {  	_ =	shalt  }
0x77: {  	_ =	shalt  }
0x78: {  	_ =	shalt  }
0x79: {  	_ =	shalt  }
0x7a: {  	_ =	shalt  }
0x7b: {  	_ =	shalt  }
0x7c: {  	_ =	shalt  }
0x7d: {  	_ =	shalt  }
0x7e: {  	_ =	shalt  }
0x7f: {  	_ =	shalt  }
0x80: {  	_ =	shalt  }
0x81: {  	_ =	shalt  }
0x82: {  	_ =	shalt  }
0x83: {  	_ =	shalt  }
0x84: {  	_ =	shalt  }
0x85: {  	_ =	shalt  }
0x86: {  	_ =	shalt  }
0x87: {  	_ =	shalt  }
.Lfunc_end0:
.L_simem_size_0:
called_computation_lowered:
.L_overlay_start_0:
0x88: {  	s2 =	sld [smem:$0x3FD9]  }
0x89: {  	s3 =	sld [smem:$0x3FFE];
	_ =	sdelay $0x1  }
0x8a: {  	s1 =	srdreg.scid  }
0x8b: {  	s0 =	sand.u32 $0x1, s1  }
0x8c: {  	s17 =	sshll.u32 s0, $0xA;
	s2 =	sadd.s32 s3, s2  }
0x8d: {  	s2 =	sadd.s32 s2, s17  }
0x8e: {  	[smem:$0x3FBB] =	sst s2  }
0x8f: {  	_ = 	snop  }
0x90: {  	s2 =	sld [smem:$0x3FC9]  }
0x91: {  	s18 =	sld [smem:$0x3FD0];
	(tm) =	ssettm $0x1  }
0x92: {  	s4 =	sld [smem:$0x3FFB];
	_ =	sdelay $0x3  }
0x93: {  	_ =	strace s4  }
0x94: {  	s4 =	sld [smem:$0x3FFC];
	_ =	sdelay $0x3  }
0x95: {  	_ =	strace s4  }
0x96: {  	s4 =	sld [smem:$0x3FFD];
	_ =	sdelay $0x3  }
0x97: {  	_ =	strace s4  }
0x98: {  	_ =	strace $0x8FFFFFFF  }
0x99: {  	s19 =	sld [smem:$0x3FDB];
	_ =	sdelay $0x1  }
0x9a: {  	s5 =	simm.s32 $_scs_section_size  }
0x9b: {  	s6 =	simm.s32 $_size__tile_overlayer_lowered;
	s7 =	simm.s32 $_tile_overlayer_lowered  }
0x9c: {  	s22 =	simm.s32 $0x1BFF;
	s21 =	sshll.u32 s7, $0x1;
	s4 =	sadd.s32 s5, s19  }
0x9d: {  	s8 =	simm.s32 $0x0;
	s20 =	sshll.u32 s6, $0x1;
	s6 =	sadd.s32 s21, s4  }
0x9e: {  	[timem:s8], [sflag:s22] =	dma.local [hbm:s6], s20  }
0x9f: {  	_ =	swait.ge [sflag:s22], s20  }
0xa0: {  	s5 =	ssub.s32 $0x0, s20;
	[sflag:s22] =	ssyncset.done $0x0  }
0xa1: {  	[sflag:s22] =	ssyncadd.s32 s5;
	_ =	sdelay $0x1  }
0xa2: {  	s23 =	simm.s32 $0x1B8B  }
0xa3: {  	_ =	swait.ge [sflag:s23], $0x1  }
0xa4: {  	[sflag:s23] =	ssyncset.done $0x0  }
0xa5: {  	s25 =	simm.s32 $0x1B8E;
	s24 =	sld [smem:$0x3FFE];
	[sflag:s23] =	ssyncadd.s32 $0xFFFFFFFF  }
0xa6: {  	s26 =	simm.s32 $execute0_lowered;
	[smem:$0x3FD2] =	sst s25  }
0xa7: {  	s6 =	sshll.u32 s26, $0x1;
	_ =	strace $0x80000046;
	[dreg:$0x1] =	wrdreg $0xFFFFFFFF  }
0xa8: {  	s28 =	simm.s32 $_size_execute0_lowered;
	s4 =	sadd.s32 s4, s6;
	[dreg:$0x0] =	wrdreg $0x0  }
0xa9: {  	s6 =	sshll.u32 s28, $0x1;
	[dreg:$0x2] =	wrdreg s4  }
0xaa: {  	[dreg:$0x3] =	wrdreg s6  }
0xab: {  	[dreg:$0x4] =	wrdreg $0xC0  }
0xac: {  	_ =	task [dreg:s8], $0x5FFFF  }
0xad: {  	[dreg:$0x1] =	wrdreg $0xFFFFFFFF  }
0xae: {  	[dreg:$0x0] =	wrdreg $0x60  }
0xaf: {  	[dreg:$0x2] =	wrdreg s2  }
0xb0: {  	[dreg:$0x3] =	wrdreg s24  }
0xb1: {  	[dreg:$0x4] =	wrdreg s18  }
0xb2: {  	[dreg:$0x5] =	wrdreg $0x2D000  }
0xb3: {  	[dreg:$0x6] =	wrdreg $0x9  }
0xb4: {  	_ =	task.clear_ibuf [dreg:s8], $0x7FFFF;
	_ =	strace $0x90000046  }
0xb5: {  	s29 =	simm.s32 $0x9;
	_ =	strace $0x80000048  }
0xb6: {  	_ =	swait.ge [sflag:s29], $0x1  }
0xb7: {  	[sflag:s29] =	ssyncadd.s32 $0xFFFFFFFF  }
0xb8: {  	_ =	strace $0x90000048  }
0xb9: {  	_ =	sfence  }
0xba: {  	s30 =	sld [smem:$0x0];
	_ =	sdelay $0x2  }
0xbb: {  	s31 =	sshll.u32 s1, $0xD;
	s1 =	sshrl.u32 s1, $0x2  }
0xbc: {  	s3 =	sand.u32 $0x4000, s31;
	s1 =	sadd.s32 s1, s30  }
0xbd: {  	s0 =	sor.u32 s3, s0;
	s1 =	sshll.u32 s1, $0x11  }
0xbe: {  	s0 =	sor.u32 s1, s0  }
0xbf: {  	s0 =	sadd.s32 $0x8F2B, s0  }
0xc0: {  	[sflag:s0] =	ssyncadd.remote.s32 $0x1  }
0xc1: {  	_ =	sfence.sel $0xFFFF  }
0xc2: {  	[dreg:$0x0] =	wrdreg $0xFFFFFFFF;
	(pc) =	sbr.abs _section_cstart, $3  }
0xc3: {  	[dreg:$0x1] =	wrdreg $0xFFFFFFFF  }
0xc4: {  	_ =	task.clear_ibuf [dreg:s8], $0x2FFFF;
	_ =	strace $0x9FFFFFFF  }
0xc5: {  	(tm) =	ssettm $0x7FFFFFFF  }
tec
execute0_lowered:
.L_overlay_start_1:
0x0: {  	(tag) =	ssettag $0x1  }
0x1: {  	s1 =	rddreg [dreg:$0x0]  }
0x2: {  	s2 =	srdreg.scid;
	s6 =	rddreg [dreg:$0x1]  }
0x3: {  	s0 =	stileid.u32;
	s8 =	rddreg [dreg:$0x2]  }
0x4: {  	s3 =	rddreg [dreg:$0x3];
	s4 =	simm.s32 $0x0;
	s5 =	smul.u32 $0x4E20, s0  }
0x5: {  	s15 =	simm.s32 $0x100;
	s16 =	simm.s32 $0x1;
	s11 =	smul.u32 $0x4F000, s0  }
0x6: {  	s7 =	sand.u32 $0x1, s2;
	s2 =	rddreg [dreg:$0x4];
	s14 =	smul.u32 $0x2780, s0  }
0x7: {  	s17 =	simm.s32 $0x0;
	[smem:$0x7FF] =	sst s4;
	s9 =	smul.u32 $0x2710, s7  }
0x8: {  	_ =	strace $0x80000047;
	s12 =	smul.u32 $0x27800, s7;
	s7 =	ssub.s32 $0x2, s7  }
0x9: {  	s13 =	sshrl.u32 s7, $0x1;
	s11 =	sshrl.u32 s11, $0x2;
	s5 =	sadd.s32 s9, s5  }
0xa: {  	s12 =	sadd.s32 s12, s6;
	s7 =	ssub.s32 s7, s13;
	s13 =	simm.s32 $0x80  }
0xb: {  	s9 =	sshrl.u32 s5, $0x3;
	s5 =	sadd.s32 $0xC800, s6;
	s7 =	smax.u32 s7, $0x1  }
0xc: {  	s31 =	sadd.s32 s14, s12;
	s12 =	simm.s32 $0x2;
	s14 =	simm.s32 $0x50  }
0xd: {  	s10 =	sadd.s32 s9, s6;
	s6 =	sadd.s32 s11, s3;
	s8 =	sadd.s32 s9, s8  }
0xe: {  	s11 =	simm.s32 $0x2900;
	s9 =	sadd.s32 $0x2A00, s10;
	s10 =	sadd.s32 $0xCA00, s31  }
.LBB2_1:
0xf: {  	[tilespmem:s11], [sflag:$0x2] =	stream.linear.gather [hbm4b:s5+s4], $0x400, $0x38;
	[tilespmem:$0x16900] =	vst v63  }
0x10: {  	_ =	swait.ge [sflag:s12], $0x400  }
0x11: {  	[sflag:s12] =	ssyncset.done $0x0  }
0x12: {  	s18 =	sadd.s32 $0x0, s6;
	[sflag:s12] =	ssyncadd.s32 $0xFFFFFC00  }
0x13: {  	[spmem:s18] =	stream.linear.scatter [tilespmem:s11], [sflag:$0x2], $0x400, $0x38;
	[tilespmem:$0x16900] =	vst v63  }
0x14: {  	s18 =	simm.s32 $0x1000;
	_ =	swait.ge [sflag:s12], $0x400  }
.LBB2_2:
0x15: {  	s19 =	sshra.s32 s18, $0x2;
	[sflag:s12] =	ssyncset.done $0x0;
	p0 =	sne.s32 s18, $0x4E000  }
.Ltmp0:
0x16: {  	s19 =	sadd.s32 s19, s6;
	[sflag:s12] =	ssyncadd.s32 $0xFFFFFC00;
	(pc) =	sbr.rel @p0 .LBB2_2-.Ltmp0, $3  }
0x17: {  	[spmem:s19] =	stream.linear.scatter [tilespmem:s11], [sflag:$0x2], $0x400, $0x38;
	[tilespmem:$0x16900] =	vst v63  }
0x18: {  	s18 =	sadd.s32 $0x1000, s18;
	_ =	sdelay $0x1  }
0x19: {  	_ =	swait.ge [sflag:s12], $0x400  }
0x1a: {  	[sflag:s12] =	ssyncset.done $0x0  }
0x1b: {  	[sflag:s12] =	ssyncadd.s32 $0xFFFFFC00  }
0x1c: {  	s18 =	sadd.s32 $0x0, s9;
	[bflag:$0x0] =	sbarrier.arrive $0xFFFF  }
0x1d: {  	[tilespmem:s4], [sflag:$0x2] =	stream.linear.gather [hbm4b:s18+s4], $0x50, $0x38;
	[tilespmem:$0x16900] =	vst v63  }
0x1e: {  	_ =	swait.ge [sflag:s12], $0x50  }
0x1f: {  	[sflag:s12] =	ssyncset.done $0x0  }
0x20: {  	s31 =	sadd.s32 $0x0, s8;
	[sflag:s12] =	ssyncadd.s32 $0xFFFFFFB0  }
0x21: {  	[tilespmem:s13], [sflag:$0x2] =	stream.linear.gather [hbm4b:s31+s4], $0x50, $0x38;
	[tilespmem:$0x16900] =	vst v63  }
0x22: {  	_ =	swait.ge [sflag:s12], $0x50  }
0x23: {  	[sflag:s12] =	ssyncset.done $0x0  }
0x24: {  	[sflag:s12] =	ssyncadd.s32 $0xFFFFFFB0  }
0x25: {  	[tilespmem:s15], [sflag:$0x1] =	stream.indirect.gather [hbm4b:s1+s14], $0x80, s4, s14, $0xb8;
	[tilespmem:$0x16900] =	vst v63  }
0x26: {  	_ =	swait.ge [sflag:s16], $0x2800  }
0x27: {  	[sflag:s16] =	ssyncset.done $0x0  }
0x28: {  	[sflag:s16] =	ssyncadd.s32 $0xFFFFD800  }
0x29: {  	[spmem:s3] =	stream.indirect.scatter.add.f32 [tilespmem:s15], [sflag:$0x2], $0x80, s13, s14, $0xb8;
	[tilespmem:$0x16900] =	vst v63  }
0x2a: {  	_ =	swait.ge [sflag:s12], $0x2800  }
0x2b: {  	s19 =	simm.s32 $0x14;
	s18 =	simm.s32 $0xA;
	[sflag:s12] =	ssyncset.done $0x0  }
.LBB2_4:
0x2c: {  	s20 =	sadd.s32 s18, s9  }
0x2d: {  	[sflag:s12] =	ssyncadd.s32 $0xFFFFD800;
	s21 =	smov.u32 s19;
	s22 =	sadd.s32 $0xA, s19  }
0x2e: {  	[tilespmem:s4], [sflag:$0x2] =	stream.linear.gather [hbm4b:s20+s4], $0x50, $0x38;
	[tilespmem:$0x16900] =	vst v63  }
0x2f: {  	p0 =	sne.s32 s19, $0x4D8;
	_ =	swait.ge [sflag:s12], $0x50  }
0x30: {  	[sflag:s12] =	ssyncset.done $0x0  }
0x31: {  	s19 =	sadd.s32 s18, s8;
	s18 =	smov.u32 s21;
	[sflag:s12] =	ssyncadd.s32 $0xFFFFFFB0  }
0x32: {  	[tilespmem:s13], [sflag:$0x2] =	stream.linear.gather [hbm4b:s19+s4], $0x50, $0x38;
	[tilespmem:$0x16900] =	vst v63  }
0x33: {  	_ =	swait.ge [sflag:s12], $0x50  }
0x34: {  	[sflag:s12] =	ssyncset.done $0x0  }
0x35: {  	[sflag:s12] =	ssyncadd.s32 $0xFFFFFFB0  }
0x36: {  	[tilespmem:s15], [sflag:$0x1] =	stream.indirect.gather [hbm4b:s1+s14], $0x80, s4, s14, $0xb8;
	[tilespmem:$0x16900] =	vst v63  }
0x37: {  	_ =	swait.ge [sflag:s16], $0x2800  }
.Ltmp1:
0x38: {  	[sflag:s16] =	ssyncset.done $0x0;
	(pc) =	sbr.rel @p0 .LBB2_4-.Ltmp1, $4  }
0x39: {  	[sflag:s16] =	ssyncadd.s32 $0xFFFFD800  }
0x3a: {  	[spmem:s3] =	stream.indirect.scatter.add.f32 [tilespmem:s15], [sflag:$0x2], $0x80, s13, s14, $0xb8;
	[tilespmem:$0x16900] =	vst v63  }
0x3b: {  	_ =	swait.ge [sflag:s12], $0x2800  }
0x3c: {  	s19 =	smov.u32 s22;
	[sflag:s12] =	ssyncset.done $0x0  }
0x3d: {  	s19 =	sadd.s32 s18, s9;
	[sflag:s12] =	ssyncadd.s32 $0xFFFFD800  }
0x3e: {  	[tilespmem:s4], [sflag:$0x2] =	stream.linear.gather [hbm4b:s19+s4], $0x50, $0x38;
	[tilespmem:$0x16900] =	vst v63  }
0x3f: {  	_ =	swait.ge [sflag:s12], $0x50  }
0x40: {  	[sflag:s12] =	ssyncset.done $0x0  }
0x41: {  	s30 =	sadd.s32 s18, s8;
	[sflag:s12] =	ssyncadd.s32 $0xFFFFFFB0  }
0x42: {  	[tilespmem:s13], [sflag:$0x2] =	stream.linear.gather [hbm4b:s30+s4], $0x50, $0x38;
	[tilespmem:$0x16900] =	vst v63  }
0x43: {  	_ =	swait.ge [sflag:s12], $0x50  }
0x44: {  	[sflag:s12] =	ssyncset.done $0x0  }
0x45: {  	[sflag:s12] =	ssyncadd.s32 $0xFFFFFFB0  }
0x46: {  	[tilespmem:s15], [sflag:$0x1] =	stream.indirect.gather [hbm4b:s1+s14], $0x80, s4, s14, $0xb8;
	[tilespmem:$0x16900] =	vst v63  }
0x47: {  	_ =	swait.ge [sflag:s16], $0x2800  }
0x48: {  	[sflag:s16] =	ssyncset.done $0x0  }
0x49: {  	[sflag:s16] =	ssyncadd.s32 $0xFFFFD800  }
0x4a: {  	[spmem:s3] =	stream.indirect.scatter.add.f32 [tilespmem:s15], [sflag:$0x2], $0x80, s13, s14, $0xb8;
	[tilespmem:$0x16900] =	vst v63  }
0x4b: {  	_ =	swait.ge [sflag:s12], $0x2800  }
0x4c: {  	[sflag:s12] =	ssyncset.done $0x0  }
0x4d: {  	[sflag:s12] =	ssyncadd.s32 $0xFFFFD800  }
0x4e: {  	[bflag:$0x0] =	sbarrier.arrive $0xFFFF  }
0x4f: {  	[tilespmem:s11], [sflag:$0x2] =	stream.linear.gather [spmem:s6], $0x400, $0x38;
	[tilespmem:$0x16900] =	vst v63  }
0x50: {  	_ =	swait.ge [sflag:s12], $0x400  }
0x51: {  	[sflag:s12] =	ssyncset.done $0x0  }
0x52: {  	s31 =	sadd.s32 $0x0, s10;
	[sflag:s12] =	ssyncadd.s32 $0xFFFFFC00  }
0x53: {  	[hbm4b:s31+s4] =	stream.linear.scatter [tilespmem:s11], [sflag:$0x2], $0x400, $0x38;
	[tilespmem:$0x16900] =	vst v63  }
0x54: {  	_ =	swait.ge [sflag:s12], $0x400  }
0x55: {  	s18 =	simm.s32 $0x80;
	s19 =	smov.u32 s6;
	[sflag:s12] =	ssyncset.done $0x0  }
.LBB2_6:
0x56: {  	p0 =	sne.s32 s18, $0x2700;
	[sflag:s12] =	ssyncadd.s32 $0xFFFFFC00;
	s19 =	sadd.s32 $0x400, s19  }
0x57: {  	[tilespmem:s11], [sflag:$0x2] =	stream.linear.gather [spmem:s19], $0x400, $0x38;
	[tilespmem:$0x16900] =	vst v63  }
0x58: {  	s20 =	smov.u32 s18;
	s18 =	sadd.s32 $0x80, s18;
	_ =	swait.ge [sflag:s12], $0x400  }
.Ltmp2:
0x59: {  	[sflag:s12] =	ssyncset.done $0x0;
	(pc) =	sbr.rel @p0 .LBB2_6-.Ltmp2, $4  }
0x5a: {  	s20 =	sadd.s32 s20, s10;
	[sflag:s12] =	ssyncadd.s32 $0xFFFFFC00  }
0x5b: {  	[hbm4b:s20+s4] =	stream.linear.scatter [tilespmem:s11], [sflag:$0x2], $0x400, $0x38;
	[tilespmem:$0x16900] =	vst v63  }
0x5c: {  	_ =	swait.ge [sflag:s12], $0x400  }
0x5d: {  	[sflag:s12] =	ssyncset.done $0x0  }
0x5e: {  	s17 =	sadd.s32 $0x1, s17  }
0x5f: {  	p0 =	sne.s32 s17, s7  }
.Ltmp3:
0x60: {  	_ = 	snop;
	(pc) =	sbr.rel @p0 .LBB2_1-.Ltmp3, $2  }
0x61: {  	_ =	sdelay $0x2  }
0x62: {  	[sflag:s12] =	ssyncadd.s32 $0xFFFFFC00  }
0x63: {  	_ =	sfence.sel $0x180000  }
0x64: {  	[bflag:$0x0] =	sbarrier.arrive $0xFFFF  }
0x65: {  	p0 =	sne.s32 s0, $0x0;
	_ =	strace $0x90000047  }
0x66: {  	s0 =	sadd.s32 @!p0 $0x100000, s2;
	[bflag:$0x2] =	sbarrier.arrive $0xFFFF  }
0x67: {  	[sflag:s0] =	ssyncadd.tile.s32 @!p0 $0x1;
	_ =	shalt  }
.Lfunc_end2:
_tile_overlayer_lowered:
.L_overlay_start_2:
0x68: {  	(tag) =	ssettag $0x2  }
0x69: {  	s0 =	rddreg [dreg:$0x0];
	s2 =	stileid.u32  }
0x6a: {  	s1 =	rddreg [dreg:$0x1];
	p0 =	sne.s32 s2, $0x0  }
0x6b: {  	s3 =	rddreg [dreg:$0x2];
	[bflag:$0x3] =	sbarrier.arrive $0xFFFF;
	s2 =	simm.s32 @!p0 $0x1C02  }
0x6c: {  	[timem:s3], [sflag:s2] =	dma.local @!p0 [hbm:s0], s1  }
0x6d: {  	s0 =	simm.s32 @!p0 $0x2  }
0x6e: {  	_ =	swait.ge @!p0 [sflag:s0], s1  }
0x6f: {  	s1 =	ssub.s32 @!p0 $0x0, s1;
	[sflag:s0] =	ssyncset.done @!p0 $0x0  }
0x70: {  	[sflag:s0] =	ssyncadd.s32 @!p0 s1  }
0x71: {  	[bflag:$0x3] =	sbarrier.arrive $0xFFFF  }
0x72: {  	_ =	shalt  }

</sc_bundles>
